<compile_context>
chip_gen: v7x
topology: tpu7x:2x2x1
jax: 0.10.2.dev20260603
libtpu: 0.0.44.dev20260713+nightly
codegen_flags: <defaults>
</compile_context>

<pallas_src>
import jax
import jax.numpy as jnp
import numpy as np
from jax import lax
from jax.experimental import pallas as pl
from jax.experimental.pallas import tpu as pltpu
from jax.experimental.pallas import tpu_sc as plsc

_THRESHOLD = np.float32(5e-8)
_SCALE = np.float32(1e-7)
_FIX = np.float32(2.0**16)
_UNFIX = np.float32(2.0**-16)

_BATCH = 16384
_LANES = 16
_NUM_TILES = 16
_PER_TILE = _BATCH // _NUM_TILES
_CHUNKS = _PER_TILE // _LANES

_mesh = plsc.VectorSubcoreMesh(
    core_axis_name="c", subcore_axis_name="s", num_cores=1
)


def _masked_sum_body(x_hbm, out_hbm, slice_v, part_v, acc_smem):
    sid = lax.axis_index("s")

    @pl.when(sid == 0)
    def _init():
        acc_smem[0] = jnp.int32(0)

    plsc.subcore_barrier()

    base = sid * _PER_TILE
    pltpu.sync_copy(x_hbm.at[pl.ds(base, _PER_TILE)], slice_v)

    acc = jnp.zeros((_LANES,), jnp.float32)
    for i in range(_CHUNKS):
        x = slice_v[pl.ds(i * _LANES, _LANES)]
        keep = (x * _SCALE) < _THRESHOLD
        acc = acc + jnp.where(keep, x, np.float32(0.0))
    ids = lax.iota(jnp.int32, _LANES)
    for shift in (1, 2, 4, 8):
        acc = acc + acc.at[ids ^ shift].get(mode="promise_in_bounds")
    q = (acc * _FIX + np.float32(0.5)).astype(jnp.int32)
    plsc.fetch_and_add(acc_smem.at[0], q[0], subcore_id=0)
    plsc.subcore_barrier()

    @pl.when(sid == 0)
    def _finalize():
        total_q = jnp.full((_LANES,), acc_smem[0], jnp.int32)
        part_v[...] = total_q.astype(jnp.float32) * _UNFIX
        pltpu.sync_copy(part_v, out_hbm)


_masked_sum_sc = pl.kernel(
    _masked_sum_body,
    out_type=jax.ShapeDtypeStruct((_LANES,), jnp.float32),
    mesh=_mesh,
    scratch_types=[
        pltpu.VMEM((_PER_TILE,), jnp.float32),
        pltpu.VMEM((_LANES,), jnp.float32),
        pltpu.SMEM((8,), jnp.int32),
    ],
)


def kernel(super_loss, index, v):
    del index, v
    out = _masked_sum_sc(super_loss)
    return out[0]

# --- scband reference (transcript-rebuilt; emitter-appended) ---
"""Pipeline reference for scband-sploss-24343874633750 (READ-ONLY COPY).

The authoritative reference and input builder live on the scoring server;
editing this copy changes nothing except your own understanding.
"""

import jax, jax.numpy as jnp
import numpy as np

# config values (normally pulled from a global `config` dict in the torch code)
THRESHOLD = 5e-8
GROWING_FACTOR = 1.3
N_SAMPLES = 1000000
BATCH = 16384


def setup_inputs(seed: int = 0) -> dict:
    key = jax.random.key(seed)
    k1, k2 = jax.random.split(key)
    super_loss = jax.random.uniform(k1, (BATCH,), dtype=jnp.float32)
    index = jax.random.randint(k2, (BATCH,), 0, N_SAMPLES, dtype=jnp.int32)
    # persistent self-paced weight buffer self.v (int, zero-initialized)
    v = jnp.zeros((N_SAMPLES,), dtype=jnp.int32)
    return {"super_loss": super_loss, "index": index, "v": v}


def reference(super_loss, index, v):
    # spl_loss: hard binary weighting based on scaled loss vs threshold
    mask = (super_loss * 1e-07 < THRESHOLD).astype(jnp.int32)
    # side-effect in the torch module: self.v[index] = mask (scatter-overwrite)
    v_updated = v.at[index].set(mask)
    # forward return value: weighted loss sum
    loss = (super_loss * mask.astype(super_loss.dtype)).sum()
    del v_updated  # state update not part of the returned value in the torch module
    return loss

if __name__ == "__main__":
    import jax
    _d = setup_inputs()
    print(jax.jit(kernel)(*tuple(_d.values())))

</pallas_src>

<mosaic_0001>
#map = affine_map<(d0, d1) -> (0)>
module attributes {stable_mosaic.version = 14 : i64} {
  func.func @_masked_sum_body(%arg0: i32, %arg1: i32, %arg2: memref<16384xf32, #tpu.memory_space<hbm>>, %arg3: memref<16xf32, #tpu.memory_space<hbm>>, %arg4: memref<1024xf32, #tpu.memory_space<vmem>>, %arg5: memref<16xf32, #tpu.memory_space<vmem>>, %arg6: memref<8xi32, #tpu.memory_space<smem>>) attributes {dimension_semantics = [#tpu.dimension_semantics<core_parallel>, #tpu.dimension_semantics<subcore_parallel>], iteration_bounds = array<i64: 1, 16>, scalar_prefetch = 0 : i64, scratch_operands = 3 : i64, tpu.core_type = #tpu.core_type<sc_vector_subcore>, window_params = [{transform_indices = #map}, {transform_indices = #map}]} {
    %eq3A = arith.constant 0 : i32
    %eq3A_0 = arith.cmpi eq, %arg1, %eq3A : i32
    %convert_element_type3A = arith.extui %eq3A_0 : i1 to i32
    %cond3A = arith.constant 0 : i32
    %cond3A_1 = arith.cmpi ne, %convert_element_type3A, %cond3A : i32
    scf.if %cond3A_1 {
      %swap3A = arith.constant 0 : i32
      %swap3A_900 = arith.constant 0 : i32
      %swap3A_901 = arith.index_cast %swap3A_900 : i32 to index
      %swap3A_902 = memref.load %arg6[%swap3A_901] : memref<8xi32, #tpu.memory_space<smem>>
      memref.store %swap3A, %arg6[%swap3A_901] : memref<8xi32, #tpu.memory_space<smem>>
    } else {
    }
    %barrier3A = arith.constant 0 : index
    tpu.barrier barrier_id(%barrier3A)
    %mul3A = arith.constant 1024 : i32
    %mul3A_2 = arith.muli %arg1, %mul3A : i32
    "tpu.region"() ({
      %run_scoped3A = tpu.sem_alloc : memref<!tpu.dma_semaphore, #tpu.memory_space<semaphore_mem>>
      %dma_start3A = tpu.memref_slice %arg2[%mul3A_2] : memref<16384xf32, #tpu.memory_space<hbm>> -> memref<1024xf32, #tpu.memory_space<hbm>>
      %dma_start3A_900 = tpu.memref_slice %arg2[%mul3A_2] : memref<16384xf32, #tpu.memory_space<hbm>> -> memref<1024xf32, #tpu.memory_space<hbm>>
      tpu.enqueue_dma source(%dma_start3A_900 : memref<1024xf32, #tpu.memory_space<hbm>>) target(%arg4 : memref<1024xf32, #tpu.memory_space<vmem>>) target_semaphore(%run_scoped3A : memref<!tpu.dma_semaphore, #tpu.memory_space<semaphore_mem>>)
      %dma_wait3A = tpu.memref_slice %arg2[%mul3A_2] : memref<16384xf32, #tpu.memory_space<hbm>> -> memref<1024xf32, #tpu.memory_space<hbm>>
      %dma_wait3A_901 = tpu.memref_slice %arg2[%mul3A_2] : memref<16384xf32, #tpu.memory_space<hbm>> -> memref<1024xf32, #tpu.memory_space<hbm>>
      tpu.wait_dma2 semaphore(%run_scoped3A : memref<!tpu.dma_semaphore, #tpu.memory_space<semaphore_mem>>) src(%dma_wait3A_901 : memref<1024xf32, #tpu.memory_space<hbm>>) dst(%arg4 : memref<1024xf32, #tpu.memory_space<vmem>>)
      tpu.yield
    }) : () -> ()
    %broadcast_in_dim3A = arith.constant 0.000000e+00 : f32
    %broadcast_in_dim3A_3 = vector.broadcast %broadcast_in_dim3A : f32 to vector<16xf32>
    %get3A = arith.constant 0 : index
    %get3A_4 = tpu.vector_load %arg4[%get3A] {strides = array<i32>} : memref<1024xf32, #tpu.memory_space<vmem>>, vector<16xf32>,
    %get3A_5 = vector.shape_cast %get3A_4 : vector<16xf32> to vector<16xf32>
    %mul3A_6 = arith.constant 1.000000e-07 : f32
    %mul3A_7 = vector.broadcast %mul3A_6 : f32 to vector<16xf32>
    %mul3A_8 = arith.mulf %get3A_5, %mul3A_7 : vector<16xf32>
    %lt3A = arith.constant 5.000000e-08 : f32
    %lt3A_9 = vector.broadcast %lt3A : f32 to vector<16xf32>
    %lt3A_10 = arith.cmpf olt, %mul3A_8, %lt3A_9 : vector<16xf32>
    %jit3A = arith.constant 0.000000e+00 : f32
    %broadcast_in_dim3A_11 = vector.broadcast %jit3A : f32 to vector<16xf32>
    %select_n3A = arith.select %lt3A_10, %get3A_5, %broadcast_in_dim3A_11 : vector<16xi1>, vector<16xf32>
    %add3A = arith.addf %broadcast_in_dim3A_3, %select_n3A : vector<16xf32>
    %get3A_12 = arith.constant 16 : index
    %get3A_13 = tpu.vector_load %arg4[%get3A_12] {strides = array<i32>} : memref<1024xf32, #tpu.memory_space<vmem>>, vector<16xf32>,
    %get3A_14 = vector.shape_cast %get3A_13 : vector<16xf32> to vector<16xf32>
    %mul3A_15 = arith.constant 1.000000e-07 : f32
    %mul3A_16 = vector.broadcast %mul3A_15 : f32 to vector<16xf32>
    %mul3A_17 = arith.mulf %get3A_14, %mul3A_16 : vector<16xf32>
    %lt3A_18 = arith.constant 5.000000e-08 : f32
    %lt3A_19 = vector.broadcast %lt3A_18 : f32 to vector<16xf32>
    %lt3A_20 = arith.cmpf olt, %mul3A_17, %lt3A_19 : vector<16xf32>
    %jit3A_21 = arith.constant 0.000000e+00 : f32
    %broadcast_in_dim3A_22 = vector.broadcast %jit3A_21 : f32 to vector<16xf32>
    %select_n3A_23 = arith.select %lt3A_20, %get3A_14, %broadcast_in_dim3A_22 : vector<16xi1>, vector<16xf32>
    %add3A_24 = arith.addf %add3A, %select_n3A_23 : vector<16xf32>
    %get3A_25 = arith.constant 32 : index
    %get3A_26 = tpu.vector_load %arg4[%get3A_25] {strides = array<i32>} : memref<1024xf32, #tpu.memory_space<vmem>>, vector<16xf32>,
    %get3A_27 = vector.shape_cast %get3A_26 : vector<16xf32> to vector<16xf32>
    %mul3A_28 = arith.constant 1.000000e-07 : f32
    %mul3A_29 = vector.broadcast %mul3A_28 : f32 to vector<16xf32>
    %mul3A_30 = arith.mulf %get3A_27, %mul3A_29 : vector<16xf32>
    %lt3A_31 = arith.constant 5.000000e-08 : f32
    %lt3A_32 = vector.broadcast %lt3A_31 : f32 to vector<16xf32>
    %lt3A_33 = arith.cmpf olt, %mul3A_30, %lt3A_32 : vector<16xf32>
    %jit3A_34 = arith.constant 0.000000e+00 : f32
    %broadcast_in_dim3A_35 = vector.broadcast %jit3A_34 : f32 to vector<16xf32>
    %select_n3A_36 = arith.select %lt3A_33, %get3A_27, %broadcast_in_dim3A_35 : vector<16xi1>, vector<16xf32>
    %add3A_37 = arith.addf %add3A_24, %select_n3A_36 : vector<16xf32>
    %get3A_38 = arith.constant 48 : index
    %get3A_39 = tpu.vector_load %arg4[%get3A_38] {strides = array<i32>} : memref<1024xf32, #tpu.memory_space<vmem>>, vector<16xf32>,
    %get3A_40 = vector.shape_cast %get3A_39 : vector<16xf32> to vector<16xf32>
    %mul3A_41 = arith.constant 1.000000e-07 : f32
    %mul3A_42 = vector.broadcast %mul3A_41 : f32 to vector<16xf32>
    %mul3A_43 = arith.mulf %get3A_40, %mul3A_42 : vector<16xf32>
    %lt3A_44 = arith.constant 5.000000e-08 : f32
    %lt3A_45 = vector.broadcast %lt3A_44 : f32 to vector<16xf32>
    %lt3A_46 = arith.cmpf olt, %mul3A_43, %lt3A_45 : vector<16xf32>
    %jit3A_47 = arith.constant 0.000000e+00 : f32
    %broadcast_in_dim3A_48 = vector.broadcast %jit3A_47 : f32 to vector<16xf32>
    %select_n3A_49 = arith.select %lt3A_46, %get3A_40, %broadcast_in_dim3A_48 : vector<16xi1>, vector<16xf32>
    %add3A_50 = arith.addf %add3A_37, %select_n3A_49 : vector<16xf32>
    %get3A_51 = arith.constant 64 : index
    %get3A_52 = tpu.vector_load %arg4[%get3A_51] {strides = array<i32>} : memref<1024xf32, #tpu.memory_space<vmem>>, vector<16xf32>,
    %get3A_53 = vector.shape_cast %get3A_52 : vector<16xf32> to vector<16xf32>
    %mul3A_54 = arith.constant 1.000000e-07 : f32
    %mul3A_55 = vector.broadcast %mul3A_54 : f32 to vector<16xf32>
    %mul3A_56 = arith.mulf %get3A_53, %mul3A_55 : vector<16xf32>
    %lt3A_57 = arith.constant 5.000000e-08 : f32
    %lt3A_58 = vector.broadcast %lt3A_57 : f32 to vector<16xf32>
    %lt3A_59 = arith.cmpf olt, %mul3A_56, %lt3A_58 : vector<16xf32>
    %jit3A_60 = arith.constant 0.000000e+00 : f32
    %broadcast_in_dim3A_61 = vector.broadcast %jit3A_60 : f32 to vector<16xf32>
    %select_n3A_62 = arith.select %lt3A_59, %get3A_53, %broadcast_in_dim3A_61 : vector<16xi1>, vector<16xf32>
    %add3A_63 = arith.addf %add3A_50, %select_n3A_62 : vector<16xf32>
    %get3A_64 = arith.constant 80 : index
    %get3A_65 = tpu.vector_load %arg4[%get3A_64] {strides = array<i32>} : memref<1024xf32, #tpu.memory_space<vmem>>, vector<16xf32>,
    %get3A_66 = vector.shape_cast %get3A_65 : vector<16xf32> to vector<16xf32>
    %mul3A_67 = arith.constant 1.000000e-07 : f32
    %mul3A_68 = vector.broadcast %mul3A_67 : f32 to vector<16xf32>
    %mul3A_69 = arith.mulf %get3A_66, %mul3A_68 : vector<16xf32>
    %lt3A_70 = arith.constant 5.000000e-08 : f32
    %lt3A_71 = vector.broadcast %lt3A_70 : f32 to vector<16xf32>
    %lt3A_72 = arith.cmpf olt, %mul3A_69, %lt3A_71 : vector<16xf32>
    %jit3A_73 = arith.constant 0.000000e+00 : f32
    %broadcast_in_dim3A_74 = vector.broadcast %jit3A_73 : f32 to vector<16xf32>
    %select_n3A_75 = arith.select %lt3A_72, %get3A_66, %broadcast_in_dim3A_74 : vector<16xi1>, vector<16xf32>
    %add3A_76 = arith.addf %add3A_63, %select_n3A_75 : vector<16xf32>
    %get3A_77 = arith.constant 96 : index
    %get3A_78 = tpu.vector_load %arg4[%get3A_77] {strides = array<i32>} : memref<1024xf32, #tpu.memory_space<vmem>>, vector<16xf32>,
    %get3A_79 = vector.shape_cast %get3A_78 : vector<16xf32> to vector<16xf32>
    %mul3A_80 = arith.constant 1.000000e-07 : f32
    %mul3A_81 = vector.broadcast %mul3A_80 : f32 to vector<16xf32>
    %mul3A_82 = arith.mulf %get3A_79, %mul3A_81 : vector<16xf32>
    %lt3A_83 = arith.constant 5.000000e-08 : f32
    %lt3A_84 = vector.broadcast %lt3A_83 : f32 to vector<16xf32>
    %lt3A_85 = arith.cmpf olt, %mul3A_82, %lt3A_84 : vector<16xf32>
    %jit3A_86 = arith.constant 0.000000e+00 : f32
    %broadcast_in_dim3A_87 = vector.broadcast %jit3A_86 : f32 to vector<16xf32>
    %select_n3A_88 = arith.select %lt3A_85, %get3A_79, %broadcast_in_dim3A_87 : vector<16xi1>, vector<16xf32>
    %add3A_89 = arith.addf %add3A_76, %select_n3A_88 : vector<16xf32>
    %get3A_90 = arith.constant 112 : index
    %get3A_91 = tpu.vector_load %arg4[%get3A_90] {strides = array<i32>} : memref<1024xf32, #tpu.memory_space<vmem>>, vector<16xf32>,
    %get3A_92 = vector.shape_cast %get3A_91 : vector<16xf32> to vector<16xf32>
    %mul3A_93 = arith.constant 1.000000e-07 : f32
    %mul3A_94 = vector.broadcast %mul3A_93 : f32 to vector<16xf32>
    %mul3A_95 = arith.mulf %get3A_92, %mul3A_94 : vector<16xf32>
    %lt3A_96 = arith.constant 5.000000e-08 : f32
    %lt3A_97 = vector.broadcast %lt3A_96 : f32 to vector<16xf32>
    %lt3A_98 = arith.cmpf olt, %mul3A_95, %lt3A_97 : vector<16xf32>
    %jit3A_99 = arith.constant 0.000000e+00 : f32
    %broadcast_in_dim3A_100 = vector.broadcast %jit3A_99 : f32 to vector<16xf32>
    %select_n3A_101 = arith.select %lt3A_98, %get3A_92, %broadcast_in_dim3A_100 : vector<16xi1>, vector<16xf32>
    %add3A_102 = arith.addf %add3A_89, %select_n3A_101 : vector<16xf32>
    %get3A_103 = arith.constant 128 : index
    %get3A_104 = tpu.vector_load %arg4[%get3A_103] {strides = array<i32>} : memref<1024xf32, #tpu.memory_space<vmem>>, vector<16xf32>,
    %get3A_105 = vector.shape_cast %get3A_104 : vector<16xf32> to vector<16xf32>
    %mul3A_106 = arith.constant 1.000000e-07 : f32
    %mul3A_107 = vector.broadcast %mul3A_106 : f32 to vector<16xf32>
    %mul3A_108 = arith.mulf %get3A_105, %mul3A_107 : vector<16xf32>
    %lt3A_109 = arith.constant 5.000000e-08 : f32
    %lt3A_110 = vector.broadcast %lt3A_109 : f32 to vector<16xf32>
    %lt3A_111 = arith.cmpf olt, %mul3A_108, %lt3A_110 : vector<16xf32>
    %jit3A_112 = arith.constant 0.000000e+00 : f32
    %broadcast_in_dim3A_113 = vector.broadcast %jit3A_112 : f32 to vector<16xf32>
    %select_n3A_114 = arith.select %lt3A_111, %get3A_105, %broadcast_in_dim3A_113 : vector<16xi1>, vector<16xf32>
    %add3A_115 = arith.addf %add3A_102, %select_n3A_114 : vector<16xf32>
    %get3A_116 = arith.constant 144 : index
    %get3A_117 = tpu.vector_load %arg4[%get3A_116] {strides = array<i32>} : memref<1024xf32, #tpu.memory_space<vmem>>, vector<16xf32>,
    %get3A_118 = vector.shape_cast %get3A_117 : vector<16xf32> to vector<16xf32>
    %mul3A_119 = arith.constant 1.000000e-07 : f32
    %mul3A_120 = vector.broadcast %mul3A_119 : f32 to vector<16xf32>
    %mul3A_121 = arith.mulf %get3A_118, %mul3A_120 : vector<16xf32>
    %lt3A_122 = arith.constant 5.000000e-08 : f32
    %lt3A_123 = vector.broadcast %lt3A_122 : f32 to vector<16xf32>
    %lt3A_124 = arith.cmpf olt, %mul3A_121, %lt3A_123 : vector<16xf32>
    %jit3A_125 = arith.constant 0.000000e+00 : f32
    %broadcast_in_dim3A_126 = vector.broadcast %jit3A_125 : f32 to vector<16xf32>
    %select_n3A_127 = arith.select %lt3A_124, %get3A_118, %broadcast_in_dim3A_126 : vector<16xi1>, vector<16xf32>
    %add3A_128 = arith.addf %add3A_115, %select_n3A_127 : vector<16xf32>
    %get3A_129 = arith.constant 160 : index
    %get3A_130 = tpu.vector_load %arg4[%get3A_129] {strides = array<i32>} : memref<1024xf32, #tpu.memory_space<vmem>>, vector<16xf32>,
    %get3A_131 = vector.shape_cast %get3A_130 : vector<16xf32> to vector<16xf32>
    %mul3A_132 = arith.constant 1.000000e-07 : f32
    %mul3A_133 = vector.broadcast %mul3A_132 : f32 to vector<16xf32>
    %mul3A_134 = arith.mulf %get3A_131, %mul3A_133 : vector<16xf32>
    %lt3A_135 = arith.constant 5.000000e-08 : f32
    %lt3A_136 = vector.broadcast %lt3A_135 : f32 to vector<16xf32>
    %lt3A_137 = arith.cmpf olt, %mul3A_134, %lt3A_136 : vector<16xf32>
    %jit3A_138 = arith.constant 0.000000e+00 : f32
    %broadcast_in_dim3A_139 = vector.broadcast %jit3A_138 : f32 to vector<16xf32>
    %select_n3A_140 = arith.select %lt3A_137, %get3A_131, %broadcast_in_dim3A_139 : vector<16xi1>, vector<16xf32>
    %add3A_141 = arith.addf %add3A_128, %select_n3A_140 : vector<16xf32>
    %get3A_142 = arith.constant 176 : index
    %get3A_143 = tpu.vector_load %arg4[%get3A_142] {strides = array<i32>} : memref<1024xf32, #tpu.memory_space<vmem>>, vector<16xf32>,
    %get3A_144 = vector.shape_cast %get3A_143 : vector<16xf32> to vector<16xf32>
    %mul3A_145 = arith.constant 1.000000e-07 : f32
    %mul3A_146 = vector.broadcast %mul3A_145 : f32 to vector<16xf32>
    %mul3A_147 = arith.mulf %get3A_144, %mul3A_146 : vector<16xf32>
    %lt3A_148 = arith.constant 5.000000e-08 : f32
    %lt3A_149 = vector.broadcast %lt3A_148 : f32 to vector<16xf32>
    %lt3A_150 = arith.cmpf olt, %mul3A_147, %lt3A_149 : vector<16xf32>
    %jit3A_151 = arith.constant 0.000000e+00 : f32
    %broadcast_in_dim3A_152 = vector.broadcast %jit3A_151 : f32 to vector<16xf32>
    %select_n3A_153 = arith.select %lt3A_150, %get3A_144, %broadcast_in_dim3A_152 : vector<16xi1>, vector<16xf32>
    %add3A_154 = arith.addf %add3A_141, %select_n3A_153 : vector<16xf32>
    %get3A_155 = arith.constant 192 : index
    %get3A_156 = tpu.vector_load %arg4[%get3A_155] {strides = array<i32>} : memref<1024xf32, #tpu.memory_space<vmem>>, vector<16xf32>,
    %get3A_157 = vector.shape_cast %get3A_156 : vector<16xf32> to vector<16xf32>
    %mul3A_158 = arith.constant 1.000000e-07 : f32
    %mul3A_159 = vector.broadcast %mul3A_158 : f32 to vector<16xf32>
    %mul3A_160 = arith.mulf %get3A_157, %mul3A_159 : vector<16xf32>
    %lt3A_161 = arith.constant 5.000000e-08 : f32
    %lt3A_162 = vector.broadcast %lt3A_161 : f32 to vector<16xf32>
    %lt3A_163 = arith.cmpf olt, %mul3A_160, %lt3A_162 : vector<16xf32>
    %jit3A_164 = arith.constant 0.000000e+00 : f32
    %broadcast_in_dim3A_165 = vector.broadcast %jit3A_164 : f32 to vector<16xf32>
    %select_n3A_166 = arith.select %lt3A_163, %get3A_157, %broadcast_in_dim3A_165 : vector<16xi1>, vector<16xf32>
    %add3A_167 = arith.addf %add3A_154, %select_n3A_166 : vector<16xf32>
    %get3A_168 = arith.constant 208 : index
    %get3A_169 = tpu.vector_load %arg4[%get3A_168] {strides = array<i32>} : memref<1024xf32, #tpu.memory_space<vmem>>, vector<16xf32>,
    %get3A_170 = vector.shape_cast %get3A_169 : vector<16xf32> to vector<16xf32>
    %mul3A_171 = arith.constant 1.000000e-07 : f32
    %mul3A_172 = vector.broadcast %mul3A_171 : f32 to vector<16xf32>
    %mul3A_173 = arith.mulf %get3A_170, %mul3A_172 : vector<16xf32>
    %lt3A_174 = arith.constant 5.000000e-08 : f32
    %lt3A_175 = vector.broadcast %lt3A_174 : f32 to vector<16xf32>
    %lt3A_176 = arith.cmpf olt, %mul3A_173, %lt3A_175 : vector<16xf32>
    %jit3A_177 = arith.constant 0.000000e+00 : f32
    %broadcast_in_dim3A_178 = vector.broadcast %jit3A_177 : f32 to vector<16xf32>
    %select_n3A_179 = arith.select %lt3A_176, %get3A_170, %broadcast_in_dim3A_178 : vector<16xi1>, vector<16xf32>
    %add3A_180 = arith.addf %add3A_167, %select_n3A_179 : vector<16xf32>
    %get3A_181 = arith.constant 224 : index
    %get3A_182 = tpu.vector_load %arg4[%get3A_181] {strides = array<i32>} : memref<1024xf32, #tpu.memory_space<vmem>>, vector<16xf32>,
    %get3A_183 = vector.shape_cast %get3A_182 : vector<16xf32> to vector<16xf32>
    %mul3A_184 = arith.constant 1.000000e-07 : f32
    %mul3A_185 = vector.broadcast %mul3A_184 : f32 to vector<16xf32>
    %mul3A_186 = arith.mulf %get3A_183, %mul3A_185 : vector<16xf32>
    %lt3A_187 = arith.constant 5.000000e-08 : f32
    %lt3A_188 = vector.broadcast %lt3A_187 : f32 to vector<16xf32>
    %lt3A_189 = arith.cmpf olt, %mul3A_186, %lt3A_188 : vector<16xf32>
    %jit3A_190 = arith.constant 0.000000e+00 : f32
    %broadcast_in_dim3A_191 = vector.broadcast %jit3A_190 : f32 to vector<16xf32>
    %select_n3A_192 = arith.select %lt3A_189, %get3A_183, %broadcast_in_dim3A_191 : vector<16xi1>, vector<16xf32>
    %add3A_193 = arith.addf %add3A_180, %select_n3A_192 : vector<16xf32>
    %get3A_194 = arith.constant 240 : index
    %get3A_195 = tpu.vector_load %arg4[%get3A_194] {strides = array<i32>} : memref<1024xf32, #tpu.memory_space<vmem>>, vector<16xf32>,
    %get3A_196 = vector.shape_cast %get3A_195 : vector<16xf32> to vector<16xf32>
    %mul3A_197 = arith.constant 1.000000e-07 : f32
    %mul3A_198 = vector.broadcast %mul3A_197 : f32 to vector<16xf32>
    %mul3A_199 = arith.mulf %get3A_196, %mul3A_198 : vector<16xf32>
    %lt3A_200 = arith.constant 5.000000e-08 : f32
    %lt3A_201 = vector.broadcast %lt3A_200 : f32 to vector<16xf32>
    %lt3A_202 = arith.cmpf olt, %mul3A_199, %lt3A_201 : vector<16xf32>
    %jit3A_203 = arith.constant 0.000000e+00 : f32
    %broadcast_in_dim3A_204 = vector.broadcast %jit3A_203 : f32 to vector<16xf32>
    %select_n3A_205 = arith.select %lt3A_202, %get3A_196, %broadcast_in_dim3A_204 : vector<16xi1>, vector<16xf32>
    %add3A_206 = arith.addf %add3A_193, %select_n3A_205 : vector<16xf32>
    %get3A_207 = arith.constant 256 : index
    %get3A_208 = tpu.vector_load %arg4[%get3A_207] {strides = array<i32>} : memref<1024xf32, #tpu.memory_space<vmem>>, vector<16xf32>,
    %get3A_209 = vector.shape_cast %get3A_208 : vector<16xf32> to vector<16xf32>
    %mul3A_210 = arith.constant 1.000000e-07 : f32
    %mul3A_211 = vector.broadcast %mul3A_210 : f32 to vector<16xf32>
    %mul3A_212 = arith.mulf %get3A_209, %mul3A_211 : vector<16xf32>
    %lt3A_213 = arith.constant 5.000000e-08 : f32
    %lt3A_214 = vector.broadcast %lt3A_213 : f32 to vector<16xf32>
    %lt3A_215 = arith.cmpf olt, %mul3A_212, %lt3A_214 : vector<16xf32>
    %jit3A_216 = arith.constant 0.000000e+00 : f32
    %broadcast_in_dim3A_217 = vector.broadcast %jit3A_216 : f32 to vector<16xf32>
    %select_n3A_218 = arith.select %lt3A_215, %get3A_209, %broadcast_in_dim3A_217 : vector<16xi1>, vector<16xf32>
    %add3A_219 = arith.addf %add3A_206, %select_n3A_218 : vector<16xf32>
    %get3A_220 = arith.constant 272 : index
    %get3A_221 = tpu.vector_load %arg4[%get3A_220] {strides = array<i32>} : memref<1024xf32, #tpu.memory_space<vmem>>, vector<16xf32>,
    %get3A_222 = vector.shape_cast %get3A_221 : vector<16xf32> to vector<16xf32>
    %mul3A_223 = arith.constant 1.000000e-07 : f32
    %mul3A_224 = vector.broadcast %mul3A_223 : f32 to vector<16xf32>
    %mul3A_225 = arith.mulf %get3A_222, %mul3A_224 : vector<16xf32>
    %lt3A_226 = arith.constant 5.000000e-08 : f32
    %lt3A_227 = vector.broadcast %lt3A_226 : f32 to vector<16xf32>
    %lt3A_228 = arith.cmpf olt, %mul3A_225, %lt3A_227 : vector<16xf32>
    %jit3A_229 = arith.constant 0.000000e+00 : f32
    %broadcast_in_dim3A_230 = vector.broadcast %jit3A_229 : f32 to vector<16xf32>
    %select_n3A_231 = arith.select %lt3A_228, %get3A_222, %broadcast_in_dim3A_230 : vector<16xi1>, vector<16xf32>
    %add3A_232 = arith.addf %add3A_219, %select_n3A_231 : vector<16xf32>
    %get3A_233 = arith.constant 288 : index
    %get3A_234 = tpu.vector_load %arg4[%get3A_233] {strides = array<i32>} : memref<1024xf32, #tpu.memory_space<vmem>>, vector<16xf32>,
    %get3A_235 = vector.shape_cast %get3A_234 : vector<16xf32> to vector<16xf32>
    %mul3A_236 = arith.constant 1.000000e-07 : f32
    %mul3A_237 = vector.broadcast %mul3A_236 : f32 to vector<16xf32>
    %mul3A_238 = arith.mulf %get3A_235, %mul3A_237 : vector<16xf32>
    %lt3A_239 = arith.constant 5.000000e-08 : f32
    %lt3A_240 = vector.broadcast %lt3A_239 : f32 to vector<16xf32>
    %lt3A_241 = arith.cmpf olt, %mul3A_238, %lt3A_240 : vector<16xf32>
    %jit3A_242 = arith.constant 0.000000e+00 : f32
    %broadcast_in_dim3A_243 = vector.broadcast %jit3A_242 : f32 to vector<16xf32>
    %select_n3A_244 = arith.select %lt3A_241, %get3A_235, %broadcast_in_dim3A_243 : vector<16xi1>, vector<16xf32>
    %add3A_245 = arith.addf %add3A_232, %select_n3A_244 : vector<16xf32>
    %get3A_246 = arith.constant 304 : index
    %get3A_247 = tpu.vector_load %arg4[%get3A_246] {strides = array<i32>} : memref<1024xf32, #tpu.memory_space<vmem>>, vector<16xf32>,
    %get3A_248 = vector.shape_cast %get3A_247 : vector<16xf32> to vector<16xf32>
    %mul3A_249 = arith.constant 1.000000e-07 : f32
    %mul3A_250 = vector.broadcast %mul3A_249 : f32 to vector<16xf32>
    %mul3A_251 = arith.mulf %get3A_248, %mul3A_250 : vector<16xf32>
    %lt3A_252 = arith.constant 5.000000e-08 : f32
    %lt3A_253 = vector.broadcast %lt3A_252 : f32 to vector<16xf32>
    %lt3A_254 = arith.cmpf olt, %mul3A_251, %lt3A_253 : vector<16xf32>
    %jit3A_255 = arith.constant 0.000000e+00 : f32
    %broadcast_in_dim3A_256 = vector.broadcast %jit3A_255 : f32 to vector<16xf32>
    %select_n3A_257 = arith.select %lt3A_254, %get3A_248, %broadcast_in_dim3A_256 : vector<16xi1>, vector<16xf32>
    %add3A_258 = arith.addf %add3A_245, %select_n3A_257 : vector<16xf32>
    %get3A_259 = arith.constant 320 : index
    %get3A_260 = tpu.vector_load %arg4[%get3A_259] {strides = array<i32>} : memref<1024xf32, #tpu.memory_space<vmem>>, vector<16xf32>,
    %get3A_261 = vector.shape_cast %get3A_260 : vector<16xf32> to vector<16xf32>
    %mul3A_262 = arith.constant 1.000000e-07 : f32
    %mul3A_263 = vector.broadcast %mul3A_262 : f32 to vector<16xf32>
    %mul3A_264 = arith.mulf %get3A_261, %mul3A_263 : vector<16xf32>
    %lt3A_265 = arith.constant 5.000000e-08 : f32
    %lt3A_266 = vector.broadcast %lt3A_265 : f32 to vector<16xf32>
    %lt3A_267 = arith.cmpf olt, %mul3A_264, %lt3A_266 : vector<16xf32>
    %jit3A_268 = arith.constant 0.000000e+00 : f32
    %broadcast_in_dim3A_269 = vector.broadcast %jit3A_268 : f32 to vector<16xf32>
    %select_n3A_270 = arith.select %lt3A_267, %get3A_261, %broadcast_in_dim3A_269 : vector<16xi1>, vector<16xf32>
    %add3A_271 = arith.addf %add3A_258, %select_n3A_270 : vector<16xf32>
    %get3A_272 = arith.constant 336 : index
    %get3A_273 = tpu.vector_load %arg4[%get3A_272] {strides = array<i32>} : memref<1024xf32, #tpu.memory_space<vmem>>, vector<16xf32>,
    %get3A_274 = vector.shape_cast %get3A_273 : vector<16xf32> to vector<16xf32>
    %mul3A_275 = arith.constant 1.000000e-07 : f32
    %mul3A_276 = vector.broadcast %mul3A_275 : f32 to vector<16xf32>
    %mul3A_277 = arith.mulf %get3A_274, %mul3A_276 : vector<16xf32>
    %lt3A_278 = arith.constant 5.000000e-08 : f32
    %lt3A_279 = vector.broadcast %lt3A_278 : f32 to vector<16xf32>
    %lt3A_280 = arith.cmpf olt, %mul3A_277, %lt3A_279 : vector<16xf32>
    %jit3A_281 = arith.constant 0.000000e+00 : f32
    %broadcast_in_dim3A_282 = vector.broadcast %jit3A_281 : f32 to vector<16xf32>
    %select_n3A_283 = arith.select %lt3A_280, %get3A_274, %broadcast_in_dim3A_282 : vector<16xi1>, vector<16xf32>
    %add3A_284 = arith.addf %add3A_271, %select_n3A_283 : vector<16xf32>
    %get3A_285 = arith.constant 352 : index
    %get3A_286 = tpu.vector_load %arg4[%get3A_285] {strides = array<i32>} : memref<1024xf32, #tpu.memory_space<vmem>>, vector<16xf32>,
    %get3A_287 = vector.shape_cast %get3A_286 : vector<16xf32> to vector<16xf32>
    %mul3A_288 = arith.constant 1.000000e-07 : f32
    %mul3A_289 = vector.broadcast %mul3A_288 : f32 to vector<16xf32>
    %mul3A_290 = arith.mulf %get3A_287, %mul3A_289 : vector<16xf32>
    %lt3A_291 = arith.constant 5.000000e-08 : f32
    %lt3A_292 = vector.broadcast %lt3A_291 : f32 to vector<16xf32>
    %lt3A_293 = arith.cmpf olt, %mul3A_290, %lt3A_292 : vector<16xf32>
    %jit3A_294 = arith.constant 0.000000e+00 : f32
    %broadcast_in_dim3A_295 = vector.broadcast %jit3A_294 : f32 to vector<16xf32>
    %select_n3A_296 = arith.select %lt3A_293, %get3A_287, %broadcast_in_dim3A_295 : vector<16xi1>, vector<16xf32>
    %add3A_297 = arith.addf %add3A_284, %select_n3A_296 : vector<16xf32>
    %get3A_298 = arith.constant 368 : index
    %get3A_299 = tpu.vector_load %arg4[%get3A_298] {strides = array<i32>} : memref<1024xf32, #tpu.memory_space<vmem>>, vector<16xf32>,
    %get3A_300 = vector.shape_cast %get3A_299 : vector<16xf32> to vector<16xf32>
    %mul3A_301 = arith.constant 1.000000e-07 : f32
    %mul3A_302 = vector.broadcast %mul3A_301 : f32 to vector<16xf32>
    %mul3A_303 = arith.mulf %get3A_300, %mul3A_302 : vector<16xf32>
    %lt3A_304 = arith.constant 5.000000e-08 : f32
    %lt3A_305 = vector.broadcast %lt3A_304 : f32 to vector<16xf32>
    %lt3A_306 = arith.cmpf olt, %mul3A_303, %lt3A_305 : vector<16xf32>
    %jit3A_307 = arith.constant 0.000000e+00 : f32
    %broadcast_in_dim3A_308 = vector.broadcast %jit3A_307 : f32 to vector<16xf32>
    %select_n3A_309 = arith.select %lt3A_306, %get3A_300, %broadcast_in_dim3A_308 : vector<16xi1>, vector<16xf32>
    %add3A_310 = arith.addf %add3A_297, %select_n3A_309 : vector<16xf32>
    %get3A_311 = arith.constant 384 : index
    %get3A_312 = tpu.vector_load %arg4[%get3A_311] {strides = array<i32>} : memref<1024xf32, #tpu.memory_space<vmem>>, vector<16xf32>,
    %get3A_313 = vector.shape_cast %get3A_312 : vector<16xf32> to vector<16xf32>
    %mul3A_314 = arith.constant 1.000000e-07 : f32
    %mul3A_315 = vector.broadcast %mul3A_314 : f32 to vector<16xf32>
    %mul3A_316 = arith.mulf %get3A_313, %mul3A_315 : vector<16xf32>
    %lt3A_317 = arith.constant 5.000000e-08 : f32
    %lt3A_318 = vector.broadcast %lt3A_317 : f32 to vector<16xf32>
    %lt3A_319 = arith.cmpf olt, %mul3A_316, %lt3A_318 : vector<16xf32>
    %jit3A_320 = arith.constant 0.000000e+00 : f32
    %broadcast_in_dim3A_321 = vector.broadcast %jit3A_320 : f32 to vector<16xf32>
    %select_n3A_322 = arith.select %lt3A_319, %get3A_313, %broadcast_in_dim3A_321 : vector<16xi1>, vector<16xf32>
    %add3A_323 = arith.addf %add3A_310, %select_n3A_322 : vector<16xf32>
    %get3A_324 = arith.constant 400 : index
    %get3A_325 = tpu.vector_load %arg4[%get3A_324] {strides = array<i32>} : memref<1024xf32, #tpu.memory_space<vmem>>, vector<16xf32>,
    %get3A_326 = vector.shape_cast %get3A_325 : vector<16xf32> to vector<16xf32>
    %mul3A_327 = arith.constant 1.000000e-07 : f32
    %mul3A_328 = vector.broadcast %mul3A_327 : f32 to vector<16xf32>
    %mul3A_329 = arith.mulf %get3A_326, %mul3A_328 : vector<16xf32>
    %lt3A_330 = arith.constant 5.000000e-08 : f32
    %lt3A_331 = vector.broadcast %lt3A_330 : f32 to vector<16xf32>
    %lt3A_332 = arith.cmpf olt, %mul3A_329, %lt3A_331 : vector<16xf32>
    %jit3A_333 = arith.constant 0.000000e+00 : f32
    %broadcast_in_dim3A_334 = vector.broadcast %jit3A_333 : f32 to vector<16xf32>
    %select_n3A_335 = arith.select %lt3A_332, %get3A_326, %broadcast_in_dim3A_334 : vector<16xi1>, vector<16xf32>
    %add3A_336 = arith.addf %add3A_323, %select_n3A_335 : vector<16xf32>
    %get3A_337 = arith.constant 416 : index
    %get3A_338 = tpu.vector_load %arg4[%get3A_337] {strides = array<i32>} : memref<1024xf32, #tpu.memory_space<vmem>>, vector<16xf32>,
    %get3A_339 = vector.shape_cast %get3A_338 : vector<16xf32> to vector<16xf32>
    %mul3A_340 = arith.constant 1.000000e-07 : f32
    %mul3A_341 = vector.broadcast %mul3A_340 : f32 to vector<16xf32>
    %mul3A_342 = arith.mulf %get3A_339, %mul3A_341 : vector<16xf32>
    %lt3A_343 = arith.constant 5.000000e-08 : f32
    %lt3A_344 = vector.broadcast %lt3A_343 : f32 to vector<16xf32>
    %lt3A_345 = arith.cmpf olt, %mul3A_342, %lt3A_344 : vector<16xf32>
    %jit3A_346 = arith.constant 0.000000e+00 : f32
    %broadcast_in_dim3A_347 = vector.broadcast %jit3A_346 : f32 to vector<16xf32>
    %select_n3A_348 = arith.select %lt3A_345, %get3A_339, %broadcast_in_dim3A_347 : vector<16xi1>, vector<16xf32>
    %add3A_349 = arith.addf %add3A_336, %select_n3A_348 : vector<16xf32>
    %get3A_350 = arith.constant 432 : index
    %get3A_351 = tpu.vector_load %arg4[%get3A_350] {strides = array<i32>} : memref<1024xf32, #tpu.memory_space<vmem>>, vector<16xf32>,
    %get3A_352 = vector.shape_cast %get3A_351 : vector<16xf32> to vector<16xf32>
    %mul3A_353 = arith.constant 1.000000e-07 : f32
    %mul3A_354 = vector.broadcast %mul3A_353 : f32 to vector<16xf32>
    %mul3A_355 = arith.mulf %get3A_352, %mul3A_354 : vector<16xf32>
    %lt3A_356 = arith.constant 5.000000e-08 : f32
    %lt3A_357 = vector.broadcast %lt3A_356 : f32 to vector<16xf32>
    %lt3A_358 = arith.cmpf olt, %mul3A_355, %lt3A_357 : vector<16xf32>
    %jit3A_359 = arith.constant 0.000000e+00 : f32
    %broadcast_in_dim3A_360 = vector.broadcast %jit3A_359 : f32 to vector<16xf32>
    %select_n3A_361 = arith.select %lt3A_358, %get3A_352, %broadcast_in_dim3A_360 : vector<16xi1>, vector<16xf32>
    %add3A_362 = arith.addf %add3A_349, %select_n3A_361 : vector<16xf32>
    %get3A_363 = arith.constant 448 : index
    %get3A_364 = tpu.vector_load %arg4[%get3A_363] {strides = array<i32>} : memref<1024xf32, #tpu.memory_space<vmem>>, vector<16xf32>,
    %get3A_365 = vector.shape_cast %get3A_364 : vector<16xf32> to vector<16xf32>
    %mul3A_366 = arith.constant 1.000000e-07 : f32
    %mul3A_367 = vector.broadcast %mul3A_366 : f32 to vector<16xf32>
    %mul3A_368 = arith.mulf %get3A_365, %mul3A_367 : vector<16xf32>
    %lt3A_369 = arith.constant 5.000000e-08 : f32
    %lt3A_370 = vector.broadcast %lt3A_369 : f32 to vector<16xf32>
    %lt3A_371 = arith.cmpf olt, %mul3A_368, %lt3A_370 : vector<16xf32>
    %jit3A_372 = arith.constant 0.000000e+00 : f32
    %broadcast_in_dim3A_373 = vector.broadcast %jit3A_372 : f32 to vector<16xf32>
    %select_n3A_374 = arith.select %lt3A_371, %get3A_365, %broadcast_in_dim3A_373 : vector<16xi1>, vector<16xf32>
    %add3A_375 = arith.addf %add3A_362, %select_n3A_374 : vector<16xf32>
    %get3A_376 = arith.constant 464 : index
    %get3A_377 = tpu.vector_load %arg4[%get3A_376] {strides = array<i32>} : memref<1024xf32, #tpu.memory_space<vmem>>, vector<16xf32>,
    %get3A_378 = vector.shape_cast %get3A_377 : vector<16xf32> to vector<16xf32>
    %mul3A_379 = arith.constant 1.000000e-07 : f32
    %mul3A_380 = vector.broadcast %mul3A_379 : f32 to vector<16xf32>
    %mul3A_381 = arith.mulf %get3A_378, %mul3A_380 : vector<16xf32>
    %lt3A_382 = arith.constant 5.000000e-08 : f32
    %lt3A_383 = vector.broadcast %lt3A_382 : f32 to vector<16xf32>
    %lt3A_384 = arith.cmpf olt, %mul3A_381, %lt3A_383 : vector<16xf32>
    %jit3A_385 = arith.constant 0.000000e+00 : f32
    %broadcast_in_dim3A_386 = vector.broadcast %jit3A_385 : f32 to vector<16xf32>
    %select_n3A_387 = arith.select %lt3A_384, %get3A_378, %broadcast_in_dim3A_386 : vector<16xi1>, vector<16xf32>
    %add3A_388 = arith.addf %add3A_375, %select_n3A_387 : vector<16xf32>
    %get3A_389 = arith.constant 480 : index
    %get3A_390 = tpu.vector_load %arg4[%get3A_389] {strides = array<i32>} : memref<1024xf32, #tpu.memory_space<vmem>>, vector<16xf32>,
    %get3A_391 = vector.shape_cast %get3A_390 : vector<16xf32> to vector<16xf32>
    %mul3A_392 = arith.constant 1.000000e-07 : f32
    %mul3A_393 = vector.broadcast %mul3A_392 : f32 to vector<16xf32>
    %mul3A_394 = arith.mulf %get3A_391, %mul3A_393 : vector<16xf32>
    %lt3A_395 = arith.constant 5.000000e-08 : f32
    %lt3A_396 = vector.broadcast %lt3A_395 : f32 to vector<16xf32>
    %lt3A_397 = arith.cmpf olt, %mul3A_394, %lt3A_396 : vector<16xf32>
    %jit3A_398 = arith.constant 0.000000e+00 : f32
    %broadcast_in_dim3A_399 = vector.broadcast %jit3A_398 : f32 to vector<16xf32>
    %select_n3A_400 = arith.select %lt3A_397, %get3A_391, %broadcast_in_dim3A_399 : vector<16xi1>, vector<16xf32>
    %add3A_401 = arith.addf %add3A_388, %select_n3A_400 : vector<16xf32>
    %get3A_402 = arith.constant 496 : index
    %get3A_403 = tpu.vector_load %arg4[%get3A_402] {strides = array<i32>} : memref<1024xf32, #tpu.memory_space<vmem>>, vector<16xf32>,
    %get3A_404 = vector.shape_cast %get3A_403 : vector<16xf32> to vector<16xf32>
    %mul3A_405 = arith.constant 1.000000e-07 : f32
    %mul3A_406 = vector.broadcast %mul3A_405 : f32 to vector<16xf32>
    %mul3A_407 = arith.mulf %get3A_404, %mul3A_406 : vector<16xf32>
    %lt3A_408 = arith.constant 5.000000e-08 : f32
    %lt3A_409 = vector.broadcast %lt3A_408 : f32 to vector<16xf32>
    %lt3A_410 = arith.cmpf olt, %mul3A_407, %lt3A_409 : vector<16xf32>
    %jit3A_411 = arith.constant 0.000000e+00 : f32
    %broadcast_in_dim3A_412 = vector.broadcast %jit3A_411 : f32 to vector<16xf32>
    %select_n3A_413 = arith.select %lt3A_410, %get3A_404, %broadcast_in_dim3A_412 : vector<16xi1>, vector<16xf32>
    %add3A_414 = arith.addf %add3A_401, %select_n3A_413 : vector<16xf32>
    %get3A_415 = arith.constant 512 : index
    %get3A_416 = tpu.vector_load %arg4[%get3A_415] {strides = array<i32>} : memref<1024xf32, #tpu.memory_space<vmem>>, vector<16xf32>,
    %get3A_417 = vector.shape_cast %get3A_416 : vector<16xf32> to vector<16xf32>
    %mul3A_418 = arith.constant 1.000000e-07 : f32
    %mul3A_419 = vector.broadcast %mul3A_418 : f32 to vector<16xf32>
    %mul3A_420 = arith.mulf %get3A_417, %mul3A_419 : vector<16xf32>
    %lt3A_421 = arith.constant 5.000000e-08 : f32
    %lt3A_422 = vector.broadcast %lt3A_421 : f32 to vector<16xf32>
    %lt3A_423 = arith.cmpf olt, %mul3A_420, %lt3A_422 : vector<16xf32>
    %jit3A_424 = arith.constant 0.000000e+00 : f32
    %broadcast_in_dim3A_425 = vector.broadcast %jit3A_424 : f32 to vector<16xf32>
    %select_n3A_426 = arith.select %lt3A_423, %get3A_417, %broadcast_in_dim3A_425 : vector<16xi1>, vector<16xf32>
    %add3A_427 = arith.addf %add3A_414, %select_n3A_426 : vector<16xf32>
    %get3A_428 = arith.constant 528 : index
    %get3A_429 = tpu.vector_load %arg4[%get3A_428] {strides = array<i32>} : memref<1024xf32, #tpu.memory_space<vmem>>, vector<16xf32>,
    %get3A_430 = vector.shape_cast %get3A_429 : vector<16xf32> to vector<16xf32>
    %mul3A_431 = arith.constant 1.000000e-07 : f32
    %mul3A_432 = vector.broadcast %mul3A_431 : f32 to vector<16xf32>
    %mul3A_433 = arith.mulf %get3A_430, %mul3A_432 : vector<16xf32>
    %lt3A_434 = arith.constant 5.000000e-08 : f32
    %lt3A_435 = vector.broadcast %lt3A_434 : f32 to vector<16xf32>
    %lt3A_436 = arith.cmpf olt, %mul3A_433, %lt3A_435 : vector<16xf32>
    %jit3A_437 = arith.constant 0.000000e+00 : f32
    %broadcast_in_dim3A_438 = vector.broadcast %jit3A_437 : f32 to vector<16xf32>
    %select_n3A_439 = arith.select %lt3A_436, %get3A_430, %broadcast_in_dim3A_438 : vector<16xi1>, vector<16xf32>
    %add3A_440 = arith.addf %add3A_427, %select_n3A_439 : vector<16xf32>
    %get3A_441 = arith.constant 544 : index
    %get3A_442 = tpu.vector_load %arg4[%get3A_441] {strides = array<i32>} : memref<1024xf32, #tpu.memory_space<vmem>>, vector<16xf32>,
    %get3A_443 = vector.shape_cast %get3A_442 : vector<16xf32> to vector<16xf32>
    %mul3A_444 = arith.constant 1.000000e-07 : f32
    %mul3A_445 = vector.broadcast %mul3A_444 : f32 to vector<16xf32>
    %mul3A_446 = arith.mulf %get3A_443, %mul3A_445 : vector<16xf32>
    %lt3A_447 = arith.constant 5.000000e-08 : f32
    %lt3A_448 = vector.broadcast %lt3A_447 : f32 to vector<16xf32>
    %lt3A_449 = arith.cmpf olt, %mul3A_446, %lt3A_448 : vector<16xf32>
    %jit3A_450 = arith.constant 0.000000e+00 : f32
    %broadcast_in_dim3A_451 = vector.broadcast %jit3A_450 : f32 to vector<16xf32>
    %select_n3A_452 = arith.select %lt3A_449, %get3A_443, %broadcast_in_dim3A_451 : vector<16xi1>, vector<16xf32>
    %add3A_453 = arith.addf %add3A_440, %select_n3A_452 : vector<16xf32>
    %get3A_454 = arith.constant 560 : index
    %get3A_455 = tpu.vector_load %arg4[%get3A_454] {strides = array<i32>} : memref<1024xf32, #tpu.memory_space<vmem>>, vector<16xf32>,
    %get3A_456 = vector.shape_cast %get3A_455 : vector<16xf32> to vector<16xf32>
    %mul3A_457 = arith.constant 1.000000e-07 : f32
    %mul3A_458 = vector.broadcast %mul3A_457 : f32 to vector<16xf32>
    %mul3A_459 = arith.mulf %get3A_456, %mul3A_458 : vector<16xf32>
    %lt3A_460 = arith.constant 5.000000e-08 : f32
    %lt3A_461 = vector.broadcast %lt3A_460 : f32 to vector<16xf32>
    %lt3A_462 = arith.cmpf olt, %mul3A_459, %lt3A_461 : vector<16xf32>
    %jit3A_463 = arith.constant 0.000000e+00 : f32
    %broadcast_in_dim3A_464 = vector.broadcast %jit3A_463 : f32 to vector<16xf32>
    %select_n3A_465 = arith.select %lt3A_462, %get3A_456, %broadcast_in_dim3A_464 : vector<16xi1>, vector<16xf32>
    %add3A_466 = arith.addf %add3A_453, %select_n3A_465 : vector<16xf32>
    %get3A_467 = arith.constant 576 : index
    %get3A_468 = tpu.vector_load %arg4[%get3A_467] {strides = array<i32>} : memref<1024xf32, #tpu.memory_space<vmem>>, vector<16xf32>,
    %get3A_469 = vector.shape_cast %get3A_468 : vector<16xf32> to vector<16xf32>
    %mul3A_470 = arith.constant 1.000000e-07 : f32
    %mul3A_471 = vector.broadcast %mul3A_470 : f32 to vector<16xf32>
    %mul3A_472 = arith.mulf %get3A_469, %mul3A_471 : vector<16xf32>
    %lt3A_473 = arith.constant 5.000000e-08 : f32
    %lt3A_474 = vector.broadcast %lt3A_473 : f32 to vector<16xf32>
    %lt3A_475 = arith.cmpf olt, %mul3A_472, %lt3A_474 : vector<16xf32>
    %jit3A_476 = arith.constant 0.000000e+00 : f32
    %broadcast_in_dim3A_477 = vector.broadcast %jit3A_476 : f32 to vector<16xf32>
    %select_n3A_478 = arith.select %lt3A_475, %get3A_469, %broadcast_in_dim3A_477 : vector<16xi1>, vector<16xf32>
    %add3A_479 = arith.addf %add3A_466, %select_n3A_478 : vector<16xf32>
    %get3A_480 = arith.constant 592 : index
    %get3A_481 = tpu.vector_load %arg4[%get3A_480] {strides = array<i32>} : memref<1024xf32, #tpu.memory_space<vmem>>, vector<16xf32>,
    %get3A_482 = vector.shape_cast %get3A_481 : vector<16xf32> to vector<16xf32>
    %mul3A_483 = arith.constant 1.000000e-07 : f32
    %mul3A_484 = vector.broadcast %mul3A_483 : f32 to vector<16xf32>
    %mul3A_485 = arith.mulf %get3A_482, %mul3A_484 : vector<16xf32>
    %lt3A_486 = arith.constant 5.000000e-08 : f32
    %lt3A_487 = vector.broadcast %lt3A_486 : f32 to vector<16xf32>
    %lt3A_488 = arith.cmpf olt, %mul3A_485, %lt3A_487 : vector<16xf32>
    %jit3A_489 = arith.constant 0.000000e+00 : f32
    %broadcast_in_dim3A_490 = vector.broadcast %jit3A_489 : f32 to vector<16xf32>
    %select_n3A_491 = arith.select %lt3A_488, %get3A_482, %broadcast_in_dim3A_490 : vector<16xi1>, vector<16xf32>
    %add3A_492 = arith.addf %add3A_479, %select_n3A_491 : vector<16xf32>
    %get3A_493 = arith.constant 608 : index
    %get3A_494 = tpu.vector_load %arg4[%get3A_493] {strides = array<i32>} : memref<1024xf32, #tpu.memory_space<vmem>>, vector<16xf32>,
    %get3A_495 = vector.shape_cast %get3A_494 : vector<16xf32> to vector<16xf32>
    %mul3A_496 = arith.constant 1.000000e-07 : f32
    %mul3A_497 = vector.broadcast %mul3A_496 : f32 to vector<16xf32>
    %mul3A_498 = arith.mulf %get3A_495, %mul3A_497 : vector<16xf32>
    %lt3A_499 = arith.constant 5.000000e-08 : f32
    %lt3A_500 = vector.broadcast %lt3A_499 : f32 to vector<16xf32>
    %lt3A_501 = arith.cmpf olt, %mul3A_498, %lt3A_500 : vector<16xf32>
    %jit3A_502 = arith.constant 0.000000e+00 : f32
    %broadcast_in_dim3A_503 = vector.broadcast %jit3A_502 : f32 to vector<16xf32>
    %select_n3A_504 = arith.select %lt3A_501, %get3A_495, %broadcast_in_dim3A_503 : vector<16xi1>, vector<16xf32>
    %add3A_505 = arith.addf %add3A_492, %select_n3A_504 : vector<16xf32>
    %get3A_506 = arith.constant 624 : index
    %get3A_507 = tpu.vector_load %arg4[%get3A_506] {strides = array<i32>} : memref<1024xf32, #tpu.memory_space<vmem>>, vector<16xf32>,
    %get3A_508 = vector.shape_cast %get3A_507 : vector<16xf32> to vector<16xf32>
    %mul3A_509 = arith.constant 1.000000e-07 : f32
    %mul3A_510 = vector.broadcast %mul3A_509 : f32 to vector<16xf32>
    %mul3A_511 = arith.mulf %get3A_508, %mul3A_510 : vector<16xf32>
    %lt3A_512 = arith.constant 5.000000e-08 : f32
    %lt3A_513 = vector.broadcast %lt3A_512 : f32 to vector<16xf32>
    %lt3A_514 = arith.cmpf olt, %mul3A_511, %lt3A_513 : vector<16xf32>
    %jit3A_515 = arith.constant 0.000000e+00 : f32
    %broadcast_in_dim3A_516 = vector.broadcast %jit3A_515 : f32 to vector<16xf32>
    %select_n3A_517 = arith.select %lt3A_514, %get3A_508, %broadcast_in_dim3A_516 : vector<16xi1>, vector<16xf32>
    %add3A_518 = arith.addf %add3A_505, %select_n3A_517 : vector<16xf32>
    %get3A_519 = arith.constant 640 : index
    %get3A_520 = tpu.vector_load %arg4[%get3A_519] {strides = array<i32>} : memref<1024xf32, #tpu.memory_space<vmem>>, vector<16xf32>,
    %get3A_521 = vector.shape_cast %get3A_520 : vector<16xf32> to vector<16xf32>
    %mul3A_522 = arith.constant 1.000000e-07 : f32
    %mul3A_523 = vector.broadcast %mul3A_522 : f32 to vector<16xf32>
    %mul3A_524 = arith.mulf %get3A_521, %mul3A_523 : vector<16xf32>
    %lt3A_525 = arith.constant 5.000000e-08 : f32
    %lt3A_526 = vector.broadcast %lt3A_525 : f32 to vector<16xf32>
    %lt3A_527 = arith.cmpf olt, %mul3A_524, %lt3A_526 : vector<16xf32>
    %jit3A_528 = arith.constant 0.000000e+00 : f32
    %broadcast_in_dim3A_529 = vector.broadcast %jit3A_528 : f32 to vector<16xf32>
    %select_n3A_530 = arith.select %lt3A_527, %get3A_521, %broadcast_in_dim3A_529 : vector<16xi1>, vector<16xf32>
    %add3A_531 = arith.addf %add3A_518, %select_n3A_530 : vector<16xf32>
    %get3A_532 = arith.constant 656 : index
    %get3A_533 = tpu.vector_load %arg4[%get3A_532] {strides = array<i32>} : memref<1024xf32, #tpu.memory_space<vmem>>, vector<16xf32>,
    %get3A_534 = vector.shape_cast %get3A_533 : vector<16xf32> to vector<16xf32>
    %mul3A_535 = arith.constant 1.000000e-07 : f32
    %mul3A_536 = vector.broadcast %mul3A_535 : f32 to vector<16xf32>
    %mul3A_537 = arith.mulf %get3A_534, %mul3A_536 : vector<16xf32>
    %lt3A_538 = arith.constant 5.000000e-08 : f32
    %lt3A_539 = vector.broadcast %lt3A_538 : f32 to vector<16xf32>
    %lt3A_540 = arith.cmpf olt, %mul3A_537, %lt3A_539 : vector<16xf32>
    %jit3A_541 = arith.constant 0.000000e+00 : f32
    %broadcast_in_dim3A_542 = vector.broadcast %jit3A_541 : f32 to vector<16xf32>
    %select_n3A_543 = arith.select %lt3A_540, %get3A_534, %broadcast_in_dim3A_542 : vector<16xi1>, vector<16xf32>
    %add3A_544 = arith.addf %add3A_531, %select_n3A_543 : vector<16xf32>
    %get3A_545 = arith.constant 672 : index
    %get3A_546 = tpu.vector_load %arg4[%get3A_545] {strides = array<i32>} : memref<1024xf32, #tpu.memory_space<vmem>>, vector<16xf32>,
    %get3A_547 = vector.shape_cast %get3A_546 : vector<16xf32> to vector<16xf32>
    %mul3A_548 = arith.constant 1.000000e-07 : f32
    %mul3A_549 = vector.broadcast %mul3A_548 : f32 to vector<16xf32>
    %mul3A_550 = arith.mulf %get3A_547, %mul3A_549 : vector<16xf32>
    %lt3A_551 = arith.constant 5.000000e-08 : f32
    %lt3A_552 = vector.broadcast %lt3A_551 : f32 to vector<16xf32>
    %lt3A_553 = arith.cmpf olt, %mul3A_550, %lt3A_552 : vector<16xf32>
    %jit3A_554 = arith.constant 0.000000e+00 : f32
    %broadcast_in_dim3A_555 = vector.broadcast %jit3A_554 : f32 to vector<16xf32>
    %select_n3A_556 = arith.select %lt3A_553, %get3A_547, %broadcast_in_dim3A_555 : vector<16xi1>, vector<16xf32>
    %add3A_557 = arith.addf %add3A_544, %select_n3A_556 : vector<16xf32>
    %get3A_558 = arith.constant 688 : index
    %get3A_559 = tpu.vector_load %arg4[%get3A_558] {strides = array<i32>} : memref<1024xf32, #tpu.memory_space<vmem>>, vector<16xf32>,
    %get3A_560 = vector.shape_cast %get3A_559 : vector<16xf32> to vector<16xf32>
    %mul3A_561 = arith.constant 1.000000e-07 : f32
    %mul3A_562 = vector.broadcast %mul3A_561 : f32 to vector<16xf32>
    %mul3A_563 = arith.mulf %get3A_560, %mul3A_562 : vector<16xf32>
    %lt3A_564 = arith.constant 5.000000e-08 : f32
    %lt3A_565 = vector.broadcast %lt3A_564 : f32 to vector<16xf32>
    %lt3A_566 = arith.cmpf olt, %mul3A_563, %lt3A_565 : vector<16xf32>
    %jit3A_567 = arith.constant 0.000000e+00 : f32
    %broadcast_in_dim3A_568 = vector.broadcast %jit3A_567 : f32 to vector<16xf32>
    %select_n3A_569 = arith.select %lt3A_566, %get3A_560, %broadcast_in_dim3A_568 : vector<16xi1>, vector<16xf32>
    %add3A_570 = arith.addf %add3A_557, %select_n3A_569 : vector<16xf32>
    %get3A_571 = arith.constant 704 : index
    %get3A_572 = tpu.vector_load %arg4[%get3A_571] {strides = array<i32>} : memref<1024xf32, #tpu.memory_space<vmem>>, vector<16xf32>,
    %get3A_573 = vector.shape_cast %get3A_572 : vector<16xf32> to vector<16xf32>
    %mul3A_574 = arith.constant 1.000000e-07 : f32
    %mul3A_575 = vector.broadcast %mul3A_574 : f32 to vector<16xf32>
    %mul3A_576 = arith.mulf %get3A_573, %mul3A_575 : vector<16xf32>
    %lt3A_577 = arith.constant 5.000000e-08 : f32
    %lt3A_578 = vector.broadcast %lt3A_577 : f32 to vector<16xf32>
    %lt3A_579 = arith.cmpf olt, %mul3A_576, %lt3A_578 : vector<16xf32>
    %jit3A_580 = arith.constant 0.000000e+00 : f32
    %broadcast_in_dim3A_581 = vector.broadcast %jit3A_580 : f32 to vector<16xf32>
    %select_n3A_582 = arith.select %lt3A_579, %get3A_573, %broadcast_in_dim3A_581 : vector<16xi1>, vector<16xf32>
    %add3A_583 = arith.addf %add3A_570, %select_n3A_582 : vector<16xf32>
    %get3A_584 = arith.constant 720 : index
    %get3A_585 = tpu.vector_load %arg4[%get3A_584] {strides = array<i32>} : memref<1024xf32, #tpu.memory_space<vmem>>, vector<16xf32>,
    %get3A_586 = vector.shape_cast %get3A_585 : vector<16xf32> to vector<16xf32>
    %mul3A_587 = arith.constant 1.000000e-07 : f32
    %mul3A_588 = vector.broadcast %mul3A_587 : f32 to vector<16xf32>
    %mul3A_589 = arith.mulf %get3A_586, %mul3A_588 : vector<16xf32>
    %lt3A_590 = arith.constant 5.000000e-08 : f32
    %lt3A_591 = vector.broadcast %lt3A_590 : f32 to vector<16xf32>
    %lt3A_592 = arith.cmpf olt, %mul3A_589, %lt3A_591 : vector<16xf32>
    %jit3A_593 = arith.constant 0.000000e+00 : f32
    %broadcast_in_dim3A_594 = vector.broadcast %jit3A_593 : f32 to vector<16xf32>
    %select_n3A_595 = arith.select %lt3A_592, %get3A_586, %broadcast_in_dim3A_594 : vector<16xi1>, vector<16xf32>
    %add3A_596 = arith.addf %add3A_583, %select_n3A_595 : vector<16xf32>
    %get3A_597 = arith.constant 736 : index
    %get3A_598 = tpu.vector_load %arg4[%get3A_597] {strides = array<i32>} : memref<1024xf32, #tpu.memory_space<vmem>>, vector<16xf32>,
    %get3A_599 = vector.shape_cast %get3A_598 : vector<16xf32> to vector<16xf32>
    %mul3A_600 = arith.constant 1.000000e-07 : f32
    %mul3A_601 = vector.broadcast %mul3A_600 : f32 to vector<16xf32>
    %mul3A_602 = arith.mulf %get3A_599, %mul3A_601 : vector<16xf32>
    %lt3A_603 = arith.constant 5.000000e-08 : f32
    %lt3A_604 = vector.broadcast %lt3A_603 : f32 to vector<16xf32>
    %lt3A_605 = arith.cmpf olt, %mul3A_602, %lt3A_604 : vector<16xf32>
    %jit3A_606 = arith.constant 0.000000e+00 : f32
    %broadcast_in_dim3A_607 = vector.broadcast %jit3A_606 : f32 to vector<16xf32>
    %select_n3A_608 = arith.select %lt3A_605, %get3A_599, %broadcast_in_dim3A_607 : vector<16xi1>, vector<16xf32>
    %add3A_609 = arith.addf %add3A_596, %select_n3A_608 : vector<16xf32>
    %get3A_610 = arith.constant 752 : index
    %get3A_611 = tpu.vector_load %arg4[%get3A_610] {strides = array<i32>} : memref<1024xf32, #tpu.memory_space<vmem>>, vector<16xf32>,
    %get3A_612 = vector.shape_cast %get3A_611 : vector<16xf32> to vector<16xf32>
    %mul3A_613 = arith.constant 1.000000e-07 : f32
    %mul3A_614 = vector.broadcast %mul3A_613 : f32 to vector<16xf32>
    %mul3A_615 = arith.mulf %get3A_612, %mul3A_614 : vector<16xf32>
    %lt3A_616 = arith.constant 5.000000e-08 : f32
    %lt3A_617 = vector.broadcast %lt3A_616 : f32 to vector<16xf32>
    %lt3A_618 = arith.cmpf olt, %mul3A_615, %lt3A_617 : vector<16xf32>
    %jit3A_619 = arith.constant 0.000000e+00 : f32
    %broadcast_in_dim3A_620 = vector.broadcast %jit3A_619 : f32 to vector<16xf32>
    %select_n3A_621 = arith.select %lt3A_618, %get3A_612, %broadcast_in_dim3A_620 : vector<16xi1>, vector<16xf32>
    %add3A_622 = arith.addf %add3A_609, %select_n3A_621 : vector<16xf32>
    %get3A_623 = arith.constant 768 : index
    %get3A_624 = tpu.vector_load %arg4[%get3A_623] {strides = array<i32>} : memref<1024xf32, #tpu.memory_space<vmem>>, vector<16xf32>,
    %get3A_625 = vector.shape_cast %get3A_624 : vector<16xf32> to vector<16xf32>
    %mul3A_626 = arith.constant 1.000000e-07 : f32
    %mul3A_627 = vector.broadcast %mul3A_626 : f32 to vector<16xf32>
    %mul3A_628 = arith.mulf %get3A_625, %mul3A_627 : vector<16xf32>
    %lt3A_629 = arith.constant 5.000000e-08 : f32
    %lt3A_630 = vector.broadcast %lt3A_629 : f32 to vector<16xf32>
    %lt3A_631 = arith.cmpf olt, %mul3A_628, %lt3A_630 : vector<16xf32>
    %jit3A_632 = arith.constant 0.000000e+00 : f32
    %broadcast_in_dim3A_633 = vector.broadcast %jit3A_632 : f32 to vector<16xf32>
    %select_n3A_634 = arith.select %lt3A_631, %get3A_625, %broadcast_in_dim3A_633 : vector<16xi1>, vector<16xf32>
    %add3A_635 = arith.addf %add3A_622, %select_n3A_634 : vector<16xf32>
    %get3A_636 = arith.constant 784 : index
    %get3A_637 = tpu.vector_load %arg4[%get3A_636] {strides = array<i32>} : memref<1024xf32, #tpu.memory_space<vmem>>, vector<16xf32>,
    %get3A_638 = vector.shape_cast %get3A_637 : vector<16xf32> to vector<16xf32>
    %mul3A_639 = arith.constant 1.000000e-07 : f32
    %mul3A_640 = vector.broadcast %mul3A_639 : f32 to vector<16xf32>
    %mul3A_641 = arith.mulf %get3A_638, %mul3A_640 : vector<16xf32>
    %lt3A_642 = arith.constant 5.000000e-08 : f32
    %lt3A_643 = vector.broadcast %lt3A_642 : f32 to vector<16xf32>
    %lt3A_644 = arith.cmpf olt, %mul3A_641, %lt3A_643 : vector<16xf32>
    %jit3A_645 = arith.constant 0.000000e+00 : f32
    %broadcast_in_dim3A_646 = vector.broadcast %jit3A_645 : f32 to vector<16xf32>
    %select_n3A_647 = arith.select %lt3A_644, %get3A_638, %broadcast_in_dim3A_646 : vector<16xi1>, vector<16xf32>
    %add3A_648 = arith.addf %add3A_635, %select_n3A_647 : vector<16xf32>
    %get3A_649 = arith.constant 800 : index
    %get3A_650 = tpu.vector_load %arg4[%get3A_649] {strides = array<i32>} : memref<1024xf32, #tpu.memory_space<vmem>>, vector<16xf32>,
    %get3A_651 = vector.shape_cast %get3A_650 : vector<16xf32> to vector<16xf32>
    %mul3A_652 = arith.constant 1.000000e-07 : f32
    %mul3A_653 = vector.broadcast %mul3A_652 : f32 to vector<16xf32>
    %mul3A_654 = arith.mulf %get3A_651, %mul3A_653 : vector<16xf32>
    %lt3A_655 = arith.constant 5.000000e-08 : f32
    %lt3A_656 = vector.broadcast %lt3A_655 : f32 to vector<16xf32>
    %lt3A_657 = arith.cmpf olt, %mul3A_654, %lt3A_656 : vector<16xf32>
    %jit3A_658 = arith.constant 0.000000e+00 : f32
    %broadcast_in_dim3A_659 = vector.broadcast %jit3A_658 : f32 to vector<16xf32>
    %select_n3A_660 = arith.select %lt3A_657, %get3A_651, %broadcast_in_dim3A_659 : vector<16xi1>, vector<16xf32>
    %add3A_661 = arith.addf %add3A_648, %select_n3A_660 : vector<16xf32>
    %get3A_662 = arith.constant 816 : index
    %get3A_663 = tpu.vector_load %arg4[%get3A_662] {strides = array<i32>} : memref<1024xf32, #tpu.memory_space<vmem>>, vector<16xf32>,
    %get3A_664 = vector.shape_cast %get3A_663 : vector<16xf32> to vector<16xf32>
    %mul3A_665 = arith.constant 1.000000e-07 : f32
    %mul3A_666 = vector.broadcast %mul3A_665 : f32 to vector<16xf32>
    %mul3A_667 = arith.mulf %get3A_664, %mul3A_666 : vector<16xf32>
    %lt3A_668 = arith.constant 5.000000e-08 : f32
    %lt3A_669 = vector.broadcast %lt3A_668 : f32 to vector<16xf32>
    %lt3A_670 = arith.cmpf olt, %mul3A_667, %lt3A_669 : vector<16xf32>
    %jit3A_671 = arith.constant 0.000000e+00 : f32
    %broadcast_in_dim3A_672 = vector.broadcast %jit3A_671 : f32 to vector<16xf32>
    %select_n3A_673 = arith.select %lt3A_670, %get3A_664, %broadcast_in_dim3A_672 : vector<16xi1>, vector<16xf32>
    %add3A_674 = arith.addf %add3A_661, %select_n3A_673 : vector<16xf32>
    %get3A_675 = arith.constant 832 : index
    %get3A_676 = tpu.vector_load %arg4[%get3A_675] {strides = array<i32>} : memref<1024xf32, #tpu.memory_space<vmem>>, vector<16xf32>,
    %get3A_677 = vector.shape_cast %get3A_676 : vector<16xf32> to vector<16xf32>
    %mul3A_678 = arith.constant 1.000000e-07 : f32
    %mul3A_679 = vector.broadcast %mul3A_678 : f32 to vector<16xf32>
    %mul3A_680 = arith.mulf %get3A_677, %mul3A_679 : vector<16xf32>
    %lt3A_681 = arith.constant 5.000000e-08 : f32
    %lt3A_682 = vector.broadcast %lt3A_681 : f32 to vector<16xf32>
    %lt3A_683 = arith.cmpf olt, %mul3A_680, %lt3A_682 : vector<16xf32>
    %jit3A_684 = arith.constant 0.000000e+00 : f32
    %broadcast_in_dim3A_685 = vector.broadcast %jit3A_684 : f32 to vector<16xf32>
    %select_n3A_686 = arith.select %lt3A_683, %get3A_677, %broadcast_in_dim3A_685 : vector<16xi1>, vector<16xf32>
    %add3A_687 = arith.addf %add3A_674, %select_n3A_686 : vector<16xf32>
    %get3A_688 = arith.constant 848 : index
    %get3A_689 = tpu.vector_load %arg4[%get3A_688] {strides = array<i32>} : memref<1024xf32, #tpu.memory_space<vmem>>, vector<16xf32>,
    %get3A_690 = vector.shape_cast %get3A_689 : vector<16xf32> to vector<16xf32>
    %mul3A_691 = arith.constant 1.000000e-07 : f32
    %mul3A_692 = vector.broadcast %mul3A_691 : f32 to vector<16xf32>
    %mul3A_693 = arith.mulf %get3A_690, %mul3A_692 : vector<16xf32>
    %lt3A_694 = arith.constant 5.000000e-08 : f32
    %lt3A_695 = vector.broadcast %lt3A_694 : f32 to vector<16xf32>
    %lt3A_696 = arith.cmpf olt, %mul3A_693, %lt3A_695 : vector<16xf32>
    %jit3A_697 = arith.constant 0.000000e+00 : f32
    %broadcast_in_dim3A_698 = vector.broadcast %jit3A_697 : f32 to vector<16xf32>
    %select_n3A_699 = arith.select %lt3A_696, %get3A_690, %broadcast_in_dim3A_698 : vector<16xi1>, vector<16xf32>
    %add3A_700 = arith.addf %add3A_687, %select_n3A_699 : vector<16xf32>
    %get3A_701 = arith.constant 864 : index
    %get3A_702 = tpu.vector_load %arg4[%get3A_701] {strides = array<i32>} : memref<1024xf32, #tpu.memory_space<vmem>>, vector<16xf32>,
    %get3A_703 = vector.shape_cast %get3A_702 : vector<16xf32> to vector<16xf32>
    %mul3A_704 = arith.constant 1.000000e-07 : f32
    %mul3A_705 = vector.broadcast %mul3A_704 : f32 to vector<16xf32>
    %mul3A_706 = arith.mulf %get3A_703, %mul3A_705 : vector<16xf32>
    %lt3A_707 = arith.constant 5.000000e-08 : f32
    %lt3A_708 = vector.broadcast %lt3A_707 : f32 to vector<16xf32>
    %lt3A_709 = arith.cmpf olt, %mul3A_706, %lt3A_708 : vector<16xf32>
    %jit3A_710 = arith.constant 0.000000e+00 : f32
    %broadcast_in_dim3A_711 = vector.broadcast %jit3A_710 : f32 to vector<16xf32>
    %select_n3A_712 = arith.select %lt3A_709, %get3A_703, %broadcast_in_dim3A_711 : vector<16xi1>, vector<16xf32>
    %add3A_713 = arith.addf %add3A_700, %select_n3A_712 : vector<16xf32>
    %get3A_714 = arith.constant 880 : index
    %get3A_715 = tpu.vector_load %arg4[%get3A_714] {strides = array<i32>} : memref<1024xf32, #tpu.memory_space<vmem>>, vector<16xf32>,
    %get3A_716 = vector.shape_cast %get3A_715 : vector<16xf32> to vector<16xf32>
    %mul3A_717 = arith.constant 1.000000e-07 : f32
    %mul3A_718 = vector.broadcast %mul3A_717 : f32 to vector<16xf32>
    %mul3A_719 = arith.mulf %get3A_716, %mul3A_718 : vector<16xf32>
    %lt3A_720 = arith.constant 5.000000e-08 : f32
    %lt3A_721 = vector.broadcast %lt3A_720 : f32 to vector<16xf32>
    %lt3A_722 = arith.cmpf olt, %mul3A_719, %lt3A_721 : vector<16xf32>
    %jit3A_723 = arith.constant 0.000000e+00 : f32
    %broadcast_in_dim3A_724 = vector.broadcast %jit3A_723 : f32 to vector<16xf32>
    %select_n3A_725 = arith.select %lt3A_722, %get3A_716, %broadcast_in_dim3A_724 : vector<16xi1>, vector<16xf32>
    %add3A_726 = arith.addf %add3A_713, %select_n3A_725 : vector<16xf32>
    %get3A_727 = arith.constant 896 : index
    %get3A_728 = tpu.vector_load %arg4[%get3A_727] {strides = array<i32>} : memref<1024xf32, #tpu.memory_space<vmem>>, vector<16xf32>,
    %get3A_729 = vector.shape_cast %get3A_728 : vector<16xf32> to vector<16xf32>
    %mul3A_730 = arith.constant 1.000000e-07 : f32
    %mul3A_731 = vector.broadcast %mul3A_730 : f32 to vector<16xf32>
    %mul3A_732 = arith.mulf %get3A_729, %mul3A_731 : vector<16xf32>
    %lt3A_733 = arith.constant 5.000000e-08 : f32
    %lt3A_734 = vector.broadcast %lt3A_733 : f32 to vector<16xf32>
    %lt3A_735 = arith.cmpf olt, %mul3A_732, %lt3A_734 : vector<16xf32>
    %jit3A_736 = arith.constant 0.000000e+00 : f32
    %broadcast_in_dim3A_737 = vector.broadcast %jit3A_736 : f32 to vector<16xf32>
    %select_n3A_738 = arith.select %lt3A_735, %get3A_729, %broadcast_in_dim3A_737 : vector<16xi1>, vector<16xf32>
    %add3A_739 = arith.addf %add3A_726, %select_n3A_738 : vector<16xf32>
    %get3A_740 = arith.constant 912 : index
    %get3A_741 = tpu.vector_load %arg4[%get3A_740] {strides = array<i32>} : memref<1024xf32, #tpu.memory_space<vmem>>, vector<16xf32>,
    %get3A_742 = vector.shape_cast %get3A_741 : vector<16xf32> to vector<16xf32>
    %mul3A_743 = arith.constant 1.000000e-07 : f32
    %mul3A_744 = vector.broadcast %mul3A_743 : f32 to vector<16xf32>
    %mul3A_745 = arith.mulf %get3A_742, %mul3A_744 : vector<16xf32>
    %lt3A_746 = arith.constant 5.000000e-08 : f32
    %lt3A_747 = vector.broadcast %lt3A_746 : f32 to vector<16xf32>
    %lt3A_748 = arith.cmpf olt, %mul3A_745, %lt3A_747 : vector<16xf32>
    %jit3A_749 = arith.constant 0.000000e+00 : f32
    %broadcast_in_dim3A_750 = vector.broadcast %jit3A_749 : f32 to vector<16xf32>
    %select_n3A_751 = arith.select %lt3A_748, %get3A_742, %broadcast_in_dim3A_750 : vector<16xi1>, vector<16xf32>
    %add3A_752 = arith.addf %add3A_739, %select_n3A_751 : vector<16xf32>
    %get3A_753 = arith.constant 928 : index
    %get3A_754 = tpu.vector_load %arg4[%get3A_753] {strides = array<i32>} : memref<1024xf32, #tpu.memory_space<vmem>>, vector<16xf32>,
    %get3A_755 = vector.shape_cast %get3A_754 : vector<16xf32> to vector<16xf32>
    %mul3A_756 = arith.constant 1.000000e-07 : f32
    %mul3A_757 = vector.broadcast %mul3A_756 : f32 to vector<16xf32>
    %mul3A_758 = arith.mulf %get3A_755, %mul3A_757 : vector<16xf32>
    %lt3A_759 = arith.constant 5.000000e-08 : f32
    %lt3A_760 = vector.broadcast %lt3A_759 : f32 to vector<16xf32>
    %lt3A_761 = arith.cmpf olt, %mul3A_758, %lt3A_760 : vector<16xf32>
    %jit3A_762 = arith.constant 0.000000e+00 : f32
    %broadcast_in_dim3A_763 = vector.broadcast %jit3A_762 : f32 to vector<16xf32>
    %select_n3A_764 = arith.select %lt3A_761, %get3A_755, %broadcast_in_dim3A_763 : vector<16xi1>, vector<16xf32>
    %add3A_765 = arith.addf %add3A_752, %select_n3A_764 : vector<16xf32>
    %get3A_766 = arith.constant 944 : index
    %get3A_767 = tpu.vector_load %arg4[%get3A_766] {strides = array<i32>} : memref<1024xf32, #tpu.memory_space<vmem>>, vector<16xf32>,
    %get3A_768 = vector.shape_cast %get3A_767 : vector<16xf32> to vector<16xf32>
    %mul3A_769 = arith.constant 1.000000e-07 : f32
    %mul3A_770 = vector.broadcast %mul3A_769 : f32 to vector<16xf32>
    %mul3A_771 = arith.mulf %get3A_768, %mul3A_770 : vector<16xf32>
    %lt3A_772 = arith.constant 5.000000e-08 : f32
    %lt3A_773 = vector.broadcast %lt3A_772 : f32 to vector<16xf32>
    %lt3A_774 = arith.cmpf olt, %mul3A_771, %lt3A_773 : vector<16xf32>
    %jit3A_775 = arith.constant 0.000000e+00 : f32
    %broadcast_in_dim3A_776 = vector.broadcast %jit3A_775 : f32 to vector<16xf32>
    %select_n3A_777 = arith.select %lt3A_774, %get3A_768, %broadcast_in_dim3A_776 : vector<16xi1>, vector<16xf32>
    %add3A_778 = arith.addf %add3A_765, %select_n3A_777 : vector<16xf32>
    %get3A_779 = arith.constant 960 : index
    %get3A_780 = tpu.vector_load %arg4[%get3A_779] {strides = array<i32>} : memref<1024xf32, #tpu.memory_space<vmem>>, vector<16xf32>,
    %get3A_781 = vector.shape_cast %get3A_780 : vector<16xf32> to vector<16xf32>
    %mul3A_782 = arith.constant 1.000000e-07 : f32
    %mul3A_783 = vector.broadcast %mul3A_782 : f32 to vector<16xf32>
    %mul3A_784 = arith.mulf %get3A_781, %mul3A_783 : vector<16xf32>
    %lt3A_785 = arith.constant 5.000000e-08 : f32
    %lt3A_786 = vector.broadcast %lt3A_785 : f32 to vector<16xf32>
    %lt3A_787 = arith.cmpf olt, %mul3A_784, %lt3A_786 : vector<16xf32>
    %jit3A_788 = arith.constant 0.000000e+00 : f32
    %broadcast_in_dim3A_789 = vector.broadcast %jit3A_788 : f32 to vector<16xf32>
    %select_n3A_790 = arith.select %lt3A_787, %get3A_781, %broadcast_in_dim3A_789 : vector<16xi1>, vector<16xf32>
    %add3A_791 = arith.addf %add3A_778, %select_n3A_790 : vector<16xf32>
    %get3A_792 = arith.constant 976 : index
    %get3A_793 = tpu.vector_load %arg4[%get3A_792] {strides = array<i32>} : memref<1024xf32, #tpu.memory_space<vmem>>, vector<16xf32>,
    %get3A_794 = vector.shape_cast %get3A_793 : vector<16xf32> to vector<16xf32>
    %mul3A_795 = arith.constant 1.000000e-07 : f32
    %mul3A_796 = vector.broadcast %mul3A_795 : f32 to vector<16xf32>
    %mul3A_797 = arith.mulf %get3A_794, %mul3A_796 : vector<16xf32>
    %lt3A_798 = arith.constant 5.000000e-08 : f32
    %lt3A_799 = vector.broadcast %lt3A_798 : f32 to vector<16xf32>
    %lt3A_800 = arith.cmpf olt, %mul3A_797, %lt3A_799 : vector<16xf32>
    %jit3A_801 = arith.constant 0.000000e+00 : f32
    %broadcast_in_dim3A_802 = vector.broadcast %jit3A_801 : f32 to vector<16xf32>
    %select_n3A_803 = arith.select %lt3A_800, %get3A_794, %broadcast_in_dim3A_802 : vector<16xi1>, vector<16xf32>
    %add3A_804 = arith.addf %add3A_791, %select_n3A_803 : vector<16xf32>
    %get3A_805 = arith.constant 992 : index
    %get3A_806 = tpu.vector_load %arg4[%get3A_805] {strides = array<i32>} : memref<1024xf32, #tpu.memory_space<vmem>>, vector<16xf32>,
    %get3A_807 = vector.shape_cast %get3A_806 : vector<16xf32> to vector<16xf32>
    %mul3A_808 = arith.constant 1.000000e-07 : f32
    %mul3A_809 = vector.broadcast %mul3A_808 : f32 to vector<16xf32>
    %mul3A_810 = arith.mulf %get3A_807, %mul3A_809 : vector<16xf32>
    %lt3A_811 = arith.constant 5.000000e-08 : f32
    %lt3A_812 = vector.broadcast %lt3A_811 : f32 to vector<16xf32>
    %lt3A_813 = arith.cmpf olt, %mul3A_810, %lt3A_812 : vector<16xf32>
    %jit3A_814 = arith.constant 0.000000e+00 : f32
    %broadcast_in_dim3A_815 = vector.broadcast %jit3A_814 : f32 to vector<16xf32>
    %select_n3A_816 = arith.select %lt3A_813, %get3A_807, %broadcast_in_dim3A_815 : vector<16xi1>, vector<16xf32>
    %add3A_817 = arith.addf %add3A_804, %select_n3A_816 : vector<16xf32>
    %get3A_818 = arith.constant 1008 : index
    %get3A_819 = tpu.vector_load %arg4[%get3A_818] {strides = array<i32>} : memref<1024xf32, #tpu.memory_space<vmem>>, vector<16xf32>,
    %get3A_820 = vector.shape_cast %get3A_819 : vector<16xf32> to vector<16xf32>
    %mul3A_821 = arith.constant 1.000000e-07 : f32
    %mul3A_822 = vector.broadcast %mul3A_821 : f32 to vector<16xf32>
    %mul3A_823 = arith.mulf %get3A_820, %mul3A_822 : vector<16xf32>
    %lt3A_824 = arith.constant 5.000000e-08 : f32
    %lt3A_825 = vector.broadcast %lt3A_824 : f32 to vector<16xf32>
    %lt3A_826 = arith.cmpf olt, %mul3A_823, %lt3A_825 : vector<16xf32>
    %jit3A_827 = arith.constant 0.000000e+00 : f32
    %broadcast_in_dim3A_828 = vector.broadcast %jit3A_827 : f32 to vector<16xf32>
    %select_n3A_829 = arith.select %lt3A_826, %get3A_820, %broadcast_in_dim3A_828 : vector<16xi1>, vector<16xf32>
    %add3A_830 = arith.addf %add3A_817, %select_n3A_829 : vector<16xf32>
    %iota3A = tpu.iota {dimensions = array<i32: 0>} : vector<16xi32>
    %xor3A = arith.constant 1 : i32
    %xor3A_831 = vector.broadcast %xor3A : i32 to vector<16xi32>
    %xor3A_832 = arith.xori %iota3A, %xor3A_831 : vector<16xi32>
    %lt3A_833 = arith.constant 0 : i32
    %lt3A_834 = vector.broadcast %lt3A_833 : i32 to vector<16xi32>
    %lt3A_835 = arith.cmpi slt, %xor3A_832, %lt3A_834 : vector<16xi32>
    %add3A_836 = arith.constant 16 : i32
    %add3A_837 = vector.broadcast %add3A_836 : i32 to vector<16xi32>
    %add3A_838 = arith.addi %xor3A_832, %add3A_837 : vector<16xi32>
    %select_n3A_839 = arith.select %lt3A_835, %add3A_838, %xor3A_832 : vector<16xi1>, vector<16xi32>
    %broadcast_in_dim3A_840 = vector.shape_cast %select_n3A_839 : vector<16xi32> to vector<16x1xi32>
    %gather3A = vector.shape_cast %broadcast_in_dim3A_840 : vector<16x1xi32> to vector<16xi32>
    %gather3A_841 = tpu.dynamic_gather %add3A_830[%gather3A] in [0] : vector<16xf32>, vector<16xi32> -> vector<16xf32>
    %add3A_842 = arith.addf %add3A_830, %gather3A_841 : vector<16xf32>
    %xor3A_843 = arith.constant 2 : i32
    %xor3A_844 = vector.broadcast %xor3A_843 : i32 to vector<16xi32>
    %xor3A_845 = arith.xori %iota3A, %xor3A_844 : vector<16xi32>
    %lt3A_846 = arith.constant 0 : i32
    %lt3A_847 = vector.broadcast %lt3A_846 : i32 to vector<16xi32>
    %lt3A_848 = arith.cmpi slt, %xor3A_845, %lt3A_847 : vector<16xi32>
    %add3A_849 = arith.constant 16 : i32
    %add3A_850 = vector.broadcast %add3A_849 : i32 to vector<16xi32>
    %add3A_851 = arith.addi %xor3A_845, %add3A_850 : vector<16xi32>
    %select_n3A_852 = arith.select %lt3A_848, %add3A_851, %xor3A_845 : vector<16xi1>, vector<16xi32>
    %broadcast_in_dim3A_853 = vector.shape_cast %select_n3A_852 : vector<16xi32> to vector<16x1xi32>
    %gather3A_854 = vector.shape_cast %broadcast_in_dim3A_853 : vector<16x1xi32> to vector<16xi32>
    %gather3A_855 = tpu.dynamic_gather %add3A_842[%gather3A_854] in [0] : vector<16xf32>, vector<16xi32> -> vector<16xf32>
    %add3A_856 = arith.addf %add3A_842, %gather3A_855 : vector<16xf32>
    %xor3A_857 = arith.constant 4 : i32
    %xor3A_858 = vector.broadcast %xor3A_857 : i32 to vector<16xi32>
    %xor3A_859 = arith.xori %iota3A, %xor3A_858 : vector<16xi32>
    %lt3A_860 = arith.constant 0 : i32
    %lt3A_861 = vector.broadcast %lt3A_860 : i32 to vector<16xi32>
    %lt3A_862 = arith.cmpi slt, %xor3A_859, %lt3A_861 : vector<16xi32>
    %add3A_863 = arith.constant 16 : i32
    %add3A_864 = vector.broadcast %add3A_863 : i32 to vector<16xi32>
    %add3A_865 = arith.addi %xor3A_859, %add3A_864 : vector<16xi32>
    %select_n3A_866 = arith.select %lt3A_862, %add3A_865, %xor3A_859 : vector<16xi1>, vector<16xi32>
    %broadcast_in_dim3A_867 = vector.shape_cast %select_n3A_866 : vector<16xi32> to vector<16x1xi32>
    %gather3A_868 = vector.shape_cast %broadcast_in_dim3A_867 : vector<16x1xi32> to vector<16xi32>
    %gather3A_869 = tpu.dynamic_gather %add3A_856[%gather3A_868] in [0] : vector<16xf32>, vector<16xi32> -> vector<16xf32>
    %add3A_870 = arith.addf %add3A_856, %gather3A_869 : vector<16xf32>
    %xor3A_871 = arith.constant 8 : i32
    %xor3A_872 = vector.broadcast %xor3A_871 : i32 to vector<16xi32>
    %xor3A_873 = arith.xori %iota3A, %xor3A_872 : vector<16xi32>
    %lt3A_874 = arith.constant 0 : i32
    %lt3A_875 = vector.broadcast %lt3A_874 : i32 to vector<16xi32>
    %lt3A_876 = arith.cmpi slt, %xor3A_873, %lt3A_875 : vector<16xi32>
    %add3A_877 = arith.constant 16 : i32
    %add3A_878 = vector.broadcast %add3A_877 : i32 to vector<16xi32>
    %add3A_879 = arith.addi %xor3A_873, %add3A_878 : vector<16xi32>
    %select_n3A_880 = arith.select %lt3A_876, %add3A_879, %xor3A_873 : vector<16xi1>, vector<16xi32>
    %broadcast_in_dim3A_881 = vector.shape_cast %select_n3A_880 : vector<16xi32> to vector<16x1xi32>
    %gather3A_882 = vector.shape_cast %broadcast_in_dim3A_881 : vector<16x1xi32> to vector<16xi32>
    %gather3A_883 = tpu.dynamic_gather %add3A_870[%gather3A_882] in [0] : vector<16xf32>, vector<16xi32> -> vector<16xf32>
    %add3A_884 = arith.addf %add3A_870, %gather3A_883 : vector<16xf32>
    %mul3A_885 = arith.constant 6.553600e+04 : f32
    %mul3A_886 = vector.broadcast %mul3A_885 : f32 to vector<16xf32>
    %mul3A_887 = arith.mulf %add3A_884, %mul3A_886 : vector<16xf32>
    %add3A_888 = arith.constant 5.000000e-01 : f32
    %add3A_889 = vector.broadcast %add3A_888 : f32 to vector<16xf32>
    %add3A_890 = arith.addf %mul3A_887, %add3A_889 : vector<16xf32>
    %convert_element_type3A_891 = arith.fptosi %add3A_890 : vector<16xf32> to vector<16xi32>
    %slice3A = vector.extract_strided_slice %convert_element_type3A_891 {offsets = [0], sizes = [1], strides = [1]} : vector<16xi32> to vector<1xi32>
    %squeeze3A = vector.extract %slice3A[0] : i32 from vector<1xi32>
    %sc_fetch_and_add3A = arith.constant 0 : i32
    %sc_fetch_and_add3A_892 = arith.constant 0 : i32
    %sc_fetch_and_add3A_893 = tpu.fetch_and_add_sync %arg6[%sc_fetch_and_add3A], %squeeze3A, %sc_fetch_and_add3A_892 : memref<8xi32, #tpu.memory_space<smem>>, i32 -> i32
    %barrier3A_894 = arith.constant 0 : index
    tpu.barrier barrier_id(%barrier3A_894)
    %eq3A_895 = arith.constant 0 : i32
    %eq3A_896 = arith.cmpi eq, %arg1, %eq3A_895 : i32
    %convert_element_type3A_897 = arith.extui %eq3A_896 : i1 to i32
    %cond3A_898 = arith.constant 0 : i32
    %cond3A_899 = arith.cmpi ne, %convert_element_type3A_897, %cond3A_898 : i32
    scf.if %cond3A_899 {
      %get3A_900 = arith.constant 0 : i32
      %get3A_901 = arith.index_cast %get3A_900 : i32 to index
      %get3A_902 = memref.load %arg6[%get3A_901] : memref<8xi32, #tpu.memory_space<smem>>
      %broadcast_in_dim3A_903 = vector.broadcast %get3A_902 : i32 to vector<16xi32>
      %convert_element_type3A_904 = arith.sitofp %broadcast_in_dim3A_903 : vector<16xi32> to vector<16xf32>
      %mul3A_905 = arith.constant 1.52587891E-5 : f32
      %mul3A_906 = vector.broadcast %mul3A_905 : f32 to vector<16xf32>
      %mul3A_907 = arith.mulf %convert_element_type3A_904, %mul3A_906 : vector<16xf32>
      %swap3A = arith.constant 0 : index
      %swap3A_908 = tpu.vector_load %arg5[%swap3A] {strides = array<i32>} : memref<16xf32, #tpu.memory_space<vmem>>, vector<16xf32>,
      %swap3A_909 = vector.shape_cast %swap3A_908 : vector<16xf32> to vector<16xf32>
      %swap3A_910 = vector.shape_cast %mul3A_907 : vector<16xf32> to vector<16xf32>
      tpu.vector_store %arg5[%swap3A], %swap3A_910 {strides = array<i32>} : memref<16xf32, #tpu.memory_space<vmem>>, vector<16xf32>,
      "tpu.region"() ({
        %run_scoped3A = tpu.sem_alloc : memref<!tpu.dma_semaphore, #tpu.memory_space<semaphore_mem>>
        tpu.enqueue_dma source(%arg5 : memref<16xf32, #tpu.memory_space<vmem>>) target(%arg3 : memref<16xf32, #tpu.memory_space<hbm>>) target_semaphore(%run_scoped3A : memref<!tpu.dma_semaphore, #tpu.memory_space<semaphore_mem>>)
        tpu.wait_dma2 semaphore(%run_scoped3A : memref<!tpu.dma_semaphore, #tpu.memory_space<semaphore_mem>>) src(%arg5 : memref<16xf32, #tpu.memory_space<vmem>>) dst(%arg3 : memref<16xf32, #tpu.memory_space<hbm>>)
        tpu.yield
      }) : () -> ()
    } else {
    }
    return
  }
}

</mosaic_0001>

<sc_bundles>
// kernel: kernel.3.cloned.1.call-start
scs
__scs_entry_jumppad:
0x0: {  	(pc) =	sbr.rel $0x88, $3  }
0x1: {  	(tag) =	ssettag $0x0;
	lr =	simm.s32 $0x1  }
0x2: {  	[smem:$0x3FA0] =	sst lr;
	_ =	strace $0xD0000000  }
0x3: {  	_ = 	snop  }
0x4: {  	_ = 	snop  }
0x5: {  	_ = 	snop  }
0x6: {  	_ = 	snop  }
0x7: {  	_ = 	snop  }
__scs_overlays_trampoline_lowered:
0x8: {  	[smem:$0x3FAF] =	sst s0  }
0x9: {  	[smem:$0x3FB0] =	sst s1  }
0xa: {  	[smem:$0x3FB1] =	sst s2  }
0xb: {  	[smem:$0x3FB2] =	sst s3  }
0xc: {  	[smem:$0x3FB3] =	sst s4  }
0xd: {  	[smem:$0x3FB4] =	sst s5  }
0xe: {  	[smem:$0x3FB5] =	sst s6  }
0xf: {  	[smem:$0x3FB6] =	sst s7  }
0x10: {  	[smem:$0x3FB7] =	sst s8  }
0x11: {  	[smem:$0x3FB8] =	sst s9;
	s0 =	simm.s32 @!p0 $0x0  }
0x12: {  	s1 =	sld [smem:$0x3F9E];
	s0 =	simm.s32 @p0 $0x1  }
0x13: {  	[smem:$0x3FB9] =	sst s0;
	s0 =	simm.s32 @!p1 $0x0  }
0x14: {  	s2 =	sld [smem:$0x3F9D];
	s0 =	simm.s32 @p1 $0x1  }
0x15: {  	[smem:$0x3FBA] =	sst s0;
	s0 =	simm.s32 @!p2 $0x0  }
0x16: {  	s3 =	sld [smem:$0x3FDB];
	s0 =	simm.s32 @p2 $0x1  }
0x17: {  	s4 =	simm.s32 $0x1BF5;
	[smem:$0x3FBC] =	sst s0  }
0x18: {  	s0 =	sld [smem:$0x3F9F];
	_ =	swait.ge [sflag:s4], $0x0  }
0x19: {  	s7 =	sld [smem:$0x3FA0]  }
0x1a: {  	s8 =	sadd.s32 $0xFFFFE003, lr  }
0x1b: {  	s9 =	sadd.s32 $0xFFFFFEF7, lr;
	s5 =	simm.s32 $0xFFFFFFFF;
	p2 =	slt.u32 s8, $0xFFFFF086  }
0x1c: {  	p1 =	slt.u32 s9, $0xF7A;
	s5 =	simm.s32 @!p2 $0x0  }
0x1d: {  	s5 =	simm.s32 @p1 $0x1;
	p0 =	seq.s32 s7, s2  }
0x1e: {  	s7 =	smul.u32 @!p0 $0xF7A, s2;
	p2 =	seq.s32 @!p0 s5, $0x0  }
0x1f: {  	s9 =	smul.u32 $0xF7A, s1;
	s8 =	simm.s32 @!p0 $0x1BF5;
	p2 =	por !p2, p0  }
0x20: {  	[sflag:s8] =	ssyncset.s32 @!p0 $0xFFFFF086;
	s6 =	sadd.s32 @!p0 s3, s7;
	s7 =	simm.s32 @!p0 $0x108  }
0x21: {  	s3 =	sadd.s32 s3, s9;
	s6 =	sadd.s32 @!p0 $0x88, s6;
	s7 =	simm.s32 @p2 $0x1082  }
0x22: {  	[simem:s7], [sflag:s8] =	dma.local @!p0 [hbm:s6], $0xF7A  }
0x23: {  	s9 =	sor.u32 $0xD0000000, s2;
	s6 =	simm.s32 $0x108;
	_ =	swait.ge @!p0 [sflag:s8], $0x0  }
0x24: {  	s3 =	sadd.s32 $0x88, s3;
	s6 =	simm.s32 @!p1 $0x1082;
	[sflag:s4] =	ssyncset.s32 $0xFFFFF086  }
0x25: {  	[simem:s6], [sflag:s4] =	dma.local [hbm:s3], $0xF7A  }
0x26: {  	[smem:$0x3FA0] =	sst s1;
	(tag) =	ssettag s2;
	_ =	strace s9  }
0x27: {  	s1 =	sld [smem:$0x3FB0]  }
0x28: {  	s2 =	sld [smem:$0x3FB1]  }
0x29: {  	s4 =	sld [smem:$0x3FB3]  }
0x2a: {  	p0 =	seq.s32 s5, $0x0;
	s5 =	sld [smem:$0x3FB4]  }
0x2b: {  	s6 =	sld [smem:$0x3FB5]  }
0x2c: {  	s7 =	sld [smem:$0x3FB6]  }
0x2d: {  	s3 =	simm.s32 $0x108;
	s8 =	sld [smem:$0x3FB7]  }
0x2e: {  	s3 =	simm.s32 @!p0 $0x1082;
	s9 =	sld [smem:$0x3FB8]  }
0x2f: {  	lr =	sadd.s32 s0, s3;
	s0 =	sld [smem:$0x3FAF]  }
0x30: {  	s3 =	sld [smem:$0x3FB2]  }
0x31: {  	[smem:$0x3FBB] =	sst s10  }
0x32: {  	s10 =	sld [smem:$0x3FB9];
	_ =	sdelay $0x3  }
0x33: {  	p0 =	seq.s32 s10, $0x1;
	s10 =	sld [smem:$0x3FBB];
	_ =	sdelay $0x3  }
0x34: {  	[smem:$0x3FBB] =	sst s10  }
0x35: {  	s10 =	sld [smem:$0x3FBA];
	_ =	sdelay $0x3  }
0x36: {  	p1 =	seq.s32 s10, $0x1;
	s10 =	sld [smem:$0x3FBB];
	_ =	sdelay $0x3  }
0x37: {  	[smem:$0x3FBB] =	sst s10  }
0x38: {  	s10 =	sld [smem:$0x3FBC]  }
0x39: {  	_ = 	snop;
	(pc) =	sbr.ind lr, $3  }
0x3a: {  	_ = 	snop  }
0x3b: {  	_ = 	snop  }
0x3c: {  	p2 =	seq.s32 s10, $0x1;
	s10 =	sld [smem:$0x3FBB]  }
0x3d: {  	_ =	shalt  }
0x3e: {  	_ =	shalt  }
0x3f: {  	_ =	shalt  }
0x40: {  	_ =	shalt  }
0x41: {  	_ =	shalt  }
0x42: {  	_ =	shalt  }
0x43: {  	_ =	shalt  }
0x44: {  	_ =	shalt  }
0x45: {  	_ =	shalt  }
0x46: {  	_ =	shalt  }
0x47: {  	_ =	shalt  }
0x48: {  	_ =	shalt  }
0x49: {  	_ =	shalt  }
0x4a: {  	_ =	shalt  }
0x4b: {  	_ =	shalt  }
0x4c: {  	_ =	shalt  }
0x4d: {  	_ =	shalt  }
0x4e: {  	_ =	shalt  }
0x4f: {  	_ =	shalt  }
0x50: {  	_ =	shalt  }
0x51: {  	_ =	shalt  }
0x52: {  	_ =	shalt  }
0x53: {  	_ =	shalt  }
0x54: {  	_ =	shalt  }
0x55: {  	_ =	shalt  }
0x56: {  	_ =	shalt  }
0x57: {  	_ =	shalt  }
0x58: {  	_ =	shalt  }
0x59: {  	_ =	shalt  }
0x5a: {  	_ =	shalt  }
0x5b: {  	_ =	shalt  }
0x5c: {  	_ =	shalt  }
0x5d: {  	_ =	shalt  }
0x5e: {  	_ =	shalt  }
0x5f: {  	_ =	shalt  }
0x60: {  	_ =	shalt  }
0x61: {  	_ =	shalt  }
0x62: {  	_ =	shalt  }
0x63: {  	_ =	shalt  }
0x64: {  	_ =	shalt  }
0x65: {  	_ =	shalt  }
0x66: {  	_ =	shalt  }
0x67: {  	_ =	shalt  }
0x68: {  	_ =	shalt  }
0x69: {  	_ =	shalt  }
0x6a: {  	_ =	shalt  }
0x6b: {  	_ =	shalt  }
0x6c: {  	_ =	shalt  }
0x6d: {  	_ =	shalt  }
0x6e: {  	_ =	shalt  }
0x6f: {  	_ =	shalt  }
0x70: {  	_ =	shalt  }
0x71: {  	_ =	shalt  }
0x72: {  	_ =	shalt  }
0x73: {  	_ =	shalt  }
0x74: {  	_ =	shalt  }
0x75: {  	_ =	shalt  }
0x76: {  	_ =	shalt  }
0x77: {  	_ =	shalt  }
0x78: {  	_ =	shalt  }
0x79: {  	_ =	shalt  }
0x7a: {  	_ =	shalt  }
0x7b: {  	_ =	shalt  }
0x7c: {  	_ =	shalt  }
0x7d: {  	_ =	shalt  }
0x7e: {  	_ =	shalt  }
0x7f: {  	_ =	shalt  }
0x80: {  	_ =	shalt  }
0x81: {  	_ =	shalt  }
0x82: {  	_ =	shalt  }
0x83: {  	_ =	shalt  }
0x84: {  	_ =	shalt  }
0x85: {  	_ =	shalt  }
0x86: {  	_ =	shalt  }
0x87: {  	_ =	shalt  }
.Lfunc_end0:
.L_simem_size_0:
called_computation_lowered:
.L_overlay_start_0:
0x88: {  	s0 =	sld [smem:$0x3FD9]  }
0x89: {  	s1 =	sld [smem:$0x3FFE];
	_ =	sdelay $0x3  }
0x8a: {  	s0 =	sadd.s32 s1, s0  }
0x8b: {  	[smem:$0x3FC7] =	sst s0  }
0x8c: {  	_ = 	snop  }
0x8d: {  	s0 =	sld [smem:$0x3FC9]  }
0x8e: {  	s17 =	sld [smem:$0x3FD0];
	(tm) =	ssettm $0x1  }
0x8f: {  	s2 =	sld [smem:$0x3FFB];
	_ =	sdelay $0x3  }
0x90: {  	_ =	strace s2  }
0x91: {  	s2 =	sld [smem:$0x3FFC];
	_ =	sdelay $0x3  }
0x92: {  	_ =	strace s2  }
0x93: {  	s2 =	sld [smem:$0x3FFD];
	_ =	sdelay $0x3  }
0x94: {  	_ =	strace s2  }
0x95: {  	_ =	strace $0x8FFFFFFF  }
0x96: {  	s18 =	sld [smem:$0x3FDB];
	_ =	sdelay $0x1  }
0x97: {  	s3 =	simm.s32 $_scs_section_size  }
0x98: {  	s4 =	simm.s32 $_size__tile_overlayer_lowered;
	s5 =	simm.s32 $_tile_overlayer_lowered  }
0x99: {  	s21 =	simm.s32 $0x1BFF;
	s20 =	sshll.u32 s5, $0x1;
	s2 =	sadd.s32 s3, s18  }
0x9a: {  	s6 =	simm.s32 $0x0;
	s19 =	sshll.u32 s4, $0x1;
	s4 =	sadd.s32 s20, s2  }
0x9b: {  	[timem:s6], [sflag:s21] =	dma.local [hbm:s4], s19  }
0x9c: {  	_ =	swait.ge [sflag:s21], s19  }
0x9d: {  	s3 =	ssub.s32 $0x0, s19;
	[sflag:s21] =	ssyncset.done $0x0  }
0x9e: {  	[sflag:s21] =	ssyncadd.s32 s3;
	_ =	sdelay $0x1  }
0x9f: {  	s22 =	simm.s32 $0x1B8B  }
0xa0: {  	_ =	swait.ge [sflag:s22], $0x1  }
0xa1: {  	[sflag:s22] =	ssyncset.done $0x0  }
0xa2: {  	s23 =	simm.s32 $0x1B8E;
	[sflag:s22] =	ssyncadd.s32 $0xFFFFFFFF  }
0xa3: {  	s24 =	simm.s32 $execute0_lowered;
	[smem:$0x3FD2] =	sst s23  }
0xa4: {  	s3 =	sshll.u32 s24, $0x1;
	_ =	strace $0x80000046;
	[dreg:$0x1] =	wrdreg $0xFFFFFFFF  }
0xa5: {  	s25 =	simm.s32 $_size_execute0_lowered;
	s2 =	sadd.s32 s2, s3;
	[dreg:$0x0] =	wrdreg $0x0  }
0xa6: {  	s3 =	sshll.u32 s25, $0x1;
	[dreg:$0x2] =	wrdreg s2  }
0xa7: {  	[dreg:$0x3] =	wrdreg s3  }
0xa8: {  	[dreg:$0x4] =	wrdreg $0xC0  }
0xa9: {  	_ =	task [dreg:s6], $0x5FFFF  }
0xaa: {  	[dreg:$0x1] =	wrdreg $0xFFFFFFFF  }
0xab: {  	[dreg:$0x0] =	wrdreg $0x60  }
0xac: {  	[dreg:$0x2] =	wrdreg s0  }
0xad: {  	[dreg:$0x3] =	wrdreg s17  }
0xae: {  	[dreg:$0x4] =	wrdreg $0x9  }
0xaf: {  	_ =	task.clear_ibuf [dreg:s6], $0x5FFFF;
	_ =	strace $0x90000046  }
0xb0: {  	s26 =	simm.s32 $0x9;
	_ =	strace $0x80000048  }
0xb1: {  	_ =	swait.ge [sflag:s26], $0x1  }
0xb2: {  	[sflag:s26] =	ssyncadd.s32 $0xFFFFFFFF  }
0xb3: {  	_ =	strace $0x90000048  }
0xb4: {  	_ =	sfence  }
0xb5: {  	s28 =	sld [smem:$0x0];
	_ =	sdelay $0x1  }
0xb6: {  	s29 =	srdreg.scid  }
0xb7: {  	s30 =	sshll.u32 s29, $0xD;
	s31 =	sshrl.u32 s29, $0x2  }
0xb8: {  	s1 =	sand.u32 $0x1, s29;
	s2 =	sand.u32 $0x4000, s30;
	s0 =	sadd.s32 s31, s28  }
0xb9: {  	s1 =	sor.u32 s2, s1;
	s0 =	sshll.u32 s0, $0x11  }
0xba: {  	s0 =	sor.u32 s0, s1  }
0xbb: {  	s0 =	sadd.s32 $0x8F2B, s0  }
0xbc: {  	[sflag:s0] =	ssyncadd.remote.s32 $0x1  }
0xbd: {  	_ =	sfence.sel $0xFFFF  }
0xbe: {  	[dreg:$0x0] =	wrdreg $0xFFFFFFFF;
	(pc) =	sbr.abs _section_cstart, $3  }
0xbf: {  	[dreg:$0x1] =	wrdreg $0xFFFFFFFF  }
0xc0: {  	_ =	task.clear_ibuf [dreg:s6], $0x2FFFF;
	_ =	strace $0x9FFFFFFF  }
0xc1: {  	(tm) =	ssettm $0x7FFFFFFF  }
tec
execute0_lowered:
.L_overlay_start_1:
0x0: {  	(tag) =	ssettag $0x1  }
0x1: {  	s4 =	rddreg [dreg:$0x0]  }
0x2: {  	s1 =	rddreg [dreg:$0x1];
	s5 =	stileid.u32  }
0x3: {  	s0 =	rddreg [dreg:$0x2];
	s3 =	simm.s32 $0x0;
	p0 =	sne.s32 s5, $0x0  }
0x4: {  	[smem:$0x7FF] =	sst s3;
	s2 =	simm.s32 @!p0 $0x0  }
0x5: {  	s5 =	sshll.u32 s5, $0x7;
	_ =	strace $0x80000047;
	[smem:$0x0] =	sst @!p0 s2  }
0x6: {  	s29 =	simm.s32 $0x2;
	s4 =	sadd.s32 s4, s5;
	[bflag:$0x0] =	sbarrier.arrive $0xFFFF  }
0x7: {  	[tilespmem:s3], [sflag:$0x2] =	stream.linear.gather [hbm4b:s4+s3], $0x400, $0x38;
	[tilespmem:$0x480] =	vst v63  }
0x8: {  	_ =	swait.ge [sflag:s29], $0x400  }
0x9: {  	[sflag:s29] =	ssyncset.done $0x0  }
0xa: {  	[sflag:s29] =	ssyncadd.s32 $0xFFFFFC00  }
0xb: {  	v0 =	vld [tilespmem:$0x0]  }
0xc: {  	v1 =	vld [tilespmem:$0x10];
	_ =	sdelay $0x1  }
0xd: {  	v2 =	vld [tilespmem:$0x20];
	_ =	sdelay $0x1  }
0xe: {  	v3 =	vld [tilespmem:$0x30]  }
0xf: {  	v4 =	vmul.f32 $1.000000010e-07, v0;
	v5 =	vmul.f32 $1.000000010e-07, v1  }
0x10: {  	v6 =	vld [tilespmem:$0x40];
	v0 =	vadd.f32 $0.0e+00, v0  }
0x11: {  	v36 =	vmul.f32 $1.000000010e-07, v2;
	vm0 =	vlt.f32 v4, $5.000000060e-08;
	vm1 =	vlt.f32 v5, $5.000000060e-08  }
0x12: {  	v37 =	vld [tilespmem:$0x50];
	v0 =	vnsel vm0, $0x0, v0;
	v1 =	vnsel vm1, $0x0, v1  }
0x13: {  	v38 =	vmul.f32 $1.000000010e-07, v3;
	vm14 =	vlt.f32 v36, $5.000000060e-08;
	v0 =	vadd.f32 v1, v0  }
0x14: {  	v39 =	vld [tilespmem:$0x60];
	v2 =	vnsel vm14, $0x0, v2  }
0x15: {  	v40 =	vmul.f32 $1.000000010e-07, v6;
	vm15 =	vlt.f32 v38, $5.000000060e-08;
	v0 =	vadd.f32 v2, v0  }
0x16: {  	v42 =	vld [tilespmem:$0x70];
	v41 =	vnsel vm15, $0x0, v3  }
0x17: {  	v43 =	vmul.f32 $1.000000010e-07, v37;
	vm4 =	vlt.f32 v40, $5.000000060e-08;
	v0 =	vadd.f32 v41, v0  }
0x18: {  	v45 =	vld [tilespmem:$0x80];
	v44 =	vnsel vm4, $0x0, v6  }
0x19: {  	v46 =	vmul.f32 $1.000000010e-07, v39;
	vm5 =	vlt.f32 v43, $5.000000060e-08;
	v0 =	vadd.f32 v44, v0  }
0x1a: {  	v48 =	vld [tilespmem:$0x90];
	v47 =	vnsel vm5, $0x0, v37  }
0x1b: {  	v49 =	vmul.f32 $1.000000010e-07, v42;
	vm6 =	vlt.f32 v46, $5.000000060e-08;
	v0 =	vadd.f32 v47, v0  }
0x1c: {  	v51 =	vld [tilespmem:$0xA0];
	v50 =	vnsel vm6, $0x0, v39  }
0x1d: {  	v52 =	vmul.f32 $1.000000010e-07, v45;
	vm7 =	vlt.f32 v49, $5.000000060e-08;
	v0 =	vadd.f32 v50, v0  }
0x1e: {  	v54 =	vld [tilespmem:$0xB0];
	v53 =	vnsel vm7, $0x0, v42  }
0x1f: {  	v55 =	vmul.f32 $1.000000010e-07, v48;
	vm8 =	vlt.f32 v52, $5.000000060e-08;
	v0 =	vadd.f32 v53, v0  }
0x20: {  	v57 =	vld [tilespmem:$0xC0];
	v56 =	vnsel vm8, $0x0, v45  }
0x21: {  	v58 =	vmul.f32 $1.000000010e-07, v51;
	vm9 =	vlt.f32 v55, $5.000000060e-08;
	v0 =	vadd.f32 v56, v0  }
0x22: {  	v60 =	vld [tilespmem:$0xD0];
	v59 =	vnsel vm9, $0x0, v48  }
0x23: {  	v61 =	vmul.f32 $1.000000010e-07, v54;
	vm10 =	vlt.f32 v58, $5.000000060e-08;
	v0 =	vadd.f32 v59, v0  }
0x24: {  	v63 =	vld [tilespmem:$0xE0];
	v62 =	vnsel vm10, $0x0, v51  }
0x25: {  	v7 =	vmul.f32 $1.000000010e-07, v57;
	vm11 =	vlt.f32 v61, $5.000000060e-08;
	v0 =	vadd.f32 v62, v0  }
0x26: {  	v9 =	vld [tilespmem:$0xF0];
	v8 =	vnsel vm11, $0x0, v54  }
0x27: {  	v10 =	vmul.f32 $1.000000010e-07, v60;
	vm12 =	vlt.f32 v7, $5.000000060e-08;
	v0 =	vadd.f32 v8, v0  }
0x28: {  	v12 =	vld [tilespmem:$0x100];
	v11 =	vnsel vm12, $0x0, v57  }
0x29: {  	v13 =	vmul.f32 $1.000000010e-07, v63;
	vm13 =	vlt.f32 v10, $5.000000060e-08;
	v0 =	vadd.f32 v11, v0  }
0x2a: {  	v15 =	vld [tilespmem:$0x110];
	v14 =	vnsel vm13, $0x0, v60  }
0x2b: {  	v16 =	vmul.f32 $1.000000010e-07, v9;
	vm14 =	vlt.f32 v13, $5.000000060e-08;
	v0 =	vadd.f32 v14, v0  }
0x2c: {  	v18 =	vld [tilespmem:$0x120];
	v17 =	vnsel vm14, $0x0, v63  }
0x2d: {  	v19 =	vmul.f32 $1.000000010e-07, v12;
	vm15 =	vlt.f32 v16, $5.000000060e-08;
	v0 =	vadd.f32 v17, v0  }
0x2e: {  	v21 =	vld [tilespmem:$0x130];
	v20 =	vnsel vm15, $0x0, v9  }
0x2f: {  	v22 =	vmul.f32 $1.000000010e-07, v15;
	vm4 =	vlt.f32 v19, $5.000000060e-08;
	v0 =	vadd.f32 v20, v0  }
0x30: {  	v24 =	vld [tilespmem:$0x140];
	v23 =	vnsel vm4, $0x0, v12  }
0x31: {  	v25 =	vmul.f32 $1.000000010e-07, v18;
	vm5 =	vlt.f32 v22, $5.000000060e-08;
	v0 =	vadd.f32 v23, v0  }
0x32: {  	v27 =	vld [tilespmem:$0x150];
	v26 =	vnsel vm5, $0x0, v15  }
0x33: {  	v28 =	vmul.f32 $1.000000010e-07, v21;
	vm6 =	vlt.f32 v25, $5.000000060e-08;
	v0 =	vadd.f32 v26, v0  }
0x34: {  	v30 =	vld [tilespmem:$0x160];
	v29 =	vnsel vm6, $0x0, v18  }
0x35: {  	v31 =	vmul.f32 $1.000000010e-07, v24;
	vm7 =	vlt.f32 v28, $5.000000060e-08;
	v0 =	vadd.f32 v29, v0  }
0x36: {  	v33 =	vld [tilespmem:$0x170];
	v32 =	vnsel vm7, $0x0, v21  }
0x37: {  	v34 =	vmul.f32 $1.000000010e-07, v27;
	vm8 =	vlt.f32 v31, $5.000000060e-08;
	v0 =	vadd.f32 v32, v0  }
0x38: {  	v36 =	vld [tilespmem:$0x180];
	v35 =	vnsel vm8, $0x0, v24  }
0x39: {  	vm9 =	vlt.f32 v34, $5.000000060e-08;
	v37 =	vmul.f32 $1.000000010e-07, v30;
	v0 =	vadd.f32 v35, v0  }
0x3a: {  	v39 =	vld [tilespmem:$0x190];
	v38 =	vnsel vm9, $0x0, v27  }
0x3b: {  	v40 =	vmul.f32 $1.000000010e-07, v33;
	vm10 =	vlt.f32 v37, $5.000000060e-08;
	v0 =	vadd.f32 v38, v0  }
0x3c: {  	v42 =	vld [tilespmem:$0x1A0];
	v41 =	vnsel vm10, $0x0, v30  }
0x3d: {  	vm11 =	vlt.f32 v40, $5.000000060e-08;
	v43 =	vmul.f32 $1.000000010e-07, v36;
	v0 =	vadd.f32 v41, v0  }
0x3e: {  	v45 =	vld [tilespmem:$0x1B0];
	v44 =	vnsel vm11, $0x0, v33  }
0x3f: {  	v46 =	vmul.f32 $1.000000010e-07, v39;
	vm12 =	vlt.f32 v43, $5.000000060e-08;
	v0 =	vadd.f32 v44, v0  }
0x40: {  	v48 =	vld [tilespmem:$0x1C0];
	v47 =	vnsel vm12, $0x0, v36  }
0x41: {  	v49 =	vmul.f32 $1.000000010e-07, v42;
	vm13 =	vlt.f32 v46, $5.000000060e-08;
	v0 =	vadd.f32 v47, v0  }
0x42: {  	v51 =	vld [tilespmem:$0x1D0];
	v50 =	vnsel vm13, $0x0, v39  }
0x43: {  	v52 =	vmul.f32 $1.000000010e-07, v45;
	vm14 =	vlt.f32 v49, $5.000000060e-08;
	v0 =	vadd.f32 v50, v0  }
0x44: {  	v54 =	vld [tilespmem:$0x1E0];
	v53 =	vnsel vm14, $0x0, v42  }
0x45: {  	v55 =	vmul.f32 $1.000000010e-07, v48;
	vm15 =	vlt.f32 v52, $5.000000060e-08;
	v0 =	vadd.f32 v53, v0  }
0x46: {  	v57 =	vld [tilespmem:$0x1F0];
	v56 =	vnsel vm15, $0x0, v45  }
0x47: {  	v58 =	vmul.f32 $1.000000010e-07, v51;
	vm4 =	vlt.f32 v55, $5.000000060e-08;
	v0 =	vadd.f32 v56, v0  }
0x48: {  	v60 =	vld [tilespmem:$0x200];
	v59 =	vnsel vm4, $0x0, v48  }
0x49: {  	v61 =	vmul.f32 $1.000000010e-07, v54;
	vm5 =	vlt.f32 v58, $5.000000060e-08;
	v0 =	vadd.f32 v59, v0  }
0x4a: {  	v63 =	vld [tilespmem:$0x210];
	v62 =	vnsel vm5, $0x0, v51  }
0x4b: {  	vm6 =	vlt.f32 v61, $5.000000060e-08;
	v8 =	vmul.f32 $1.000000010e-07, v57;
	v0 =	vadd.f32 v62, v0  }
0x4c: {  	v10 =	vld [tilespmem:$0x220];
	v9 =	vnsel vm6, $0x0, v54  }
0x4d: {  	vm7 =	vlt.f32 v8, $5.000000060e-08;
	v11 =	vmul.f32 $1.000000010e-07, v60;
	v0 =	vadd.f32 v9, v0  }
0x4e: {  	v13 =	vld [tilespmem:$0x230];
	v12 =	vnsel vm7, $0x0, v57  }
0x4f: {  	vm8 =	vlt.f32 v11, $5.000000060e-08;
	v14 =	vmul.f32 $1.000000010e-07, v63;
	v0 =	vadd.f32 v12, v0  }
0x50: {  	v16 =	vld [tilespmem:$0x240];
	v15 =	vnsel vm8, $0x0, v60  }
0x51: {  	vm9 =	vlt.f32 v14, $5.000000060e-08;
	v17 =	vmul.f32 $1.000000010e-07, v10;
	v0 =	vadd.f32 v15, v0  }
0x52: {  	v19 =	vld [tilespmem:$0x250];
	v18 =	vnsel vm9, $0x0, v63  }
0x53: {  	vm10 =	vlt.f32 v17, $5.000000060e-08;
	v20 =	vmul.f32 $1.000000010e-07, v13;
	v0 =	vadd.f32 v18, v0  }
0x54: {  	v22 =	vld [tilespmem:$0x260];
	v21 =	vnsel vm10, $0x0, v10  }
0x55: {  	vm11 =	vlt.f32 v20, $5.000000060e-08;
	v23 =	vmul.f32 $1.000000010e-07, v16;
	v0 =	vadd.f32 v21, v0  }
0x56: {  	v25 =	vld [tilespmem:$0x270];
	v24 =	vnsel vm11, $0x0, v13  }
0x57: {  	vm12 =	vlt.f32 v23, $5.000000060e-08;
	v26 =	vmul.f32 $1.000000010e-07, v19;
	v0 =	vadd.f32 v24, v0  }
0x58: {  	v28 =	vld [tilespmem:$0x280];
	v27 =	vnsel vm12, $0x0, v16  }
0x59: {  	vm13 =	vlt.f32 v26, $5.000000060e-08;
	v29 =	vmul.f32 $1.000000010e-07, v22;
	v0 =	vadd.f32 v27, v0  }
0x5a: {  	v31 =	vld [tilespmem:$0x290];
	v30 =	vnsel vm13, $0x0, v19  }
0x5b: {  	vm14 =	vlt.f32 v29, $5.000000060e-08;
	v32 =	vmul.f32 $1.000000010e-07, v25;
	v0 =	vadd.f32 v30, v0  }
0x5c: {  	v34 =	vld [tilespmem:$0x2A0];
	v33 =	vnsel vm14, $0x0, v22  }
0x5d: {  	vm15 =	vlt.f32 v32, $5.000000060e-08;
	v35 =	vmul.f32 $1.000000010e-07, v28;
	v0 =	vadd.f32 v33, v0  }
0x5e: {  	v37 =	vld [tilespmem:$0x2B0];
	v36 =	vnsel vm15, $0x0, v25  }
0x5f: {  	vm4 =	vlt.f32 v35, $5.000000060e-08;
	v38 =	vmul.f32 $1.000000010e-07, v31;
	v0 =	vadd.f32 v36, v0  }
0x60: {  	v40 =	vld [tilespmem:$0x2C0];
	v39 =	vnsel vm4, $0x0, v28  }
0x61: {  	vm5 =	vlt.f32 v38, $5.000000060e-08;
	v41 =	vmul.f32 $1.000000010e-07, v34;
	v0 =	vadd.f32 v39, v0  }
0x62: {  	v43 =	vld [tilespmem:$0x2D0];
	v42 =	vnsel vm5, $0x0, v31  }
0x63: {  	vm6 =	vlt.f32 v41, $5.000000060e-08;
	v44 =	vmul.f32 $1.000000010e-07, v37;
	v0 =	vadd.f32 v42, v0  }
0x64: {  	v46 =	vld [tilespmem:$0x2E0];
	v45 =	vnsel vm6, $0x0, v34  }
0x65: {  	vm7 =	vlt.f32 v44, $5.000000060e-08;
	v47 =	vmul.f32 $1.000000010e-07, v40;
	v0 =	vadd.f32 v45, v0  }
0x66: {  	v49 =	vld [tilespmem:$0x2F0];
	v48 =	vnsel vm7, $0x0, v37  }
0x67: {  	vm8 =	vlt.f32 v47, $5.000000060e-08;
	v50 =	vmul.f32 $1.000000010e-07, v43;
	v0 =	vadd.f32 v48, v0  }
0x68: {  	v52 =	vld [tilespmem:$0x300];
	v51 =	vnsel vm8, $0x0, v40  }
0x69: {  	vm9 =	vlt.f32 v50, $5.000000060e-08;
	v53 =	vmul.f32 $1.000000010e-07, v46;
	v0 =	vadd.f32 v51, v0  }
0x6a: {  	v55 =	vld [tilespmem:$0x310];
	v54 =	vnsel vm9, $0x0, v43  }
0x6b: {  	vm10 =	vlt.f32 v53, $5.000000060e-08;
	v56 =	vmul.f32 $1.000000010e-07, v49;
	v0 =	vadd.f32 v54, v0  }
0x6c: {  	v58 =	vld [tilespmem:$0x320];
	v57 =	vnsel vm10, $0x0, v46  }
0x6d: {  	vm11 =	vlt.f32 v56, $5.000000060e-08;
	v59 =	vmul.f32 $1.000000010e-07, v52;
	v0 =	vadd.f32 v57, v0  }
0x6e: {  	v61 =	vld [tilespmem:$0x330];
	v60 =	vnsel vm11, $0x0, v49  }
0x6f: {  	vm12 =	vlt.f32 v59, $5.000000060e-08;
	v62 =	vmul.f32 $1.000000010e-07, v55;
	v0 =	vadd.f32 v60, v0  }
0x70: {  	v63 =	vnsel vm12, $0x0, v52;
	v9 =	vld [tilespmem:$0x340]  }
0x71: {  	v10 =	vmul.f32 $1.000000010e-07, v58;
	vm13 =	vlt.f32 v62, $5.000000060e-08;
	v0 =	vadd.f32 v63, v0  }
0x72: {  	v11 =	vnsel vm13, $0x0, v55;
	v12 =	vld [tilespmem:$0x350]  }
0x73: {  	v13 =	vmul.f32 $1.000000010e-07, v61;
	vm14 =	vlt.f32 v10, $5.000000060e-08;
	v0 =	vadd.f32 v11, v0  }
0x74: {  	v14 =	vnsel vm14, $0x0, v58;
	v15 =	vld [tilespmem:$0x360]  }
0x75: {  	vm15 =	vlt.f32 v13, $5.000000060e-08;
	v16 =	vmul.f32 $1.000000010e-07, v9;
	v0 =	vadd.f32 v14, v0  }
0x76: {  	v17 =	vnsel vm15, $0x0, v61;
	v18 =	vld [tilespmem:$0x370]  }
0x77: {  	vm4 =	vlt.f32 v16, $5.000000060e-08;
	v19 =	vmul.f32 $1.000000010e-07, v12;
	v0 =	vadd.f32 v17, v0  }
0x78: {  	v20 =	vnsel vm4, $0x0, v9;
	v21 =	vld [tilespmem:$0x380]  }
0x79: {  	vm5 =	vlt.f32 v19, $5.000000060e-08;
	v22 =	vmul.f32 $1.000000010e-07, v15;
	v0 =	vadd.f32 v20, v0  }
0x7a: {  	v23 =	vnsel vm5, $0x0, v12;
	v24 =	vld [tilespmem:$0x390]  }
0x7b: {  	vm6 =	vlt.f32 v22, $5.000000060e-08;
	v25 =	vmul.f32 $1.000000010e-07, v18;
	v0 =	vadd.f32 v23, v0  }
0x7c: {  	v26 =	vnsel vm6, $0x0, v15;
	v27 =	vld [tilespmem:$0x3A0]  }
0x7d: {  	vm7 =	vlt.f32 v25, $5.000000060e-08;
	v28 =	vmul.f32 $1.000000010e-07, v21;
	v0 =	vadd.f32 v26, v0  }
0x7e: {  	v29 =	vnsel vm7, $0x0, v18;
	v30 =	vld [tilespmem:$0x3B0]  }
0x7f: {  	vm8 =	vlt.f32 v28, $5.000000060e-08;
	v31 =	vmul.f32 $1.000000010e-07, v24;
	v0 =	vadd.f32 v29, v0  }
0x80: {  	v32 =	vnsel vm8, $0x0, v21;
	v33 =	vld [tilespmem:$0x3C0]  }
0x81: {  	vm9 =	vlt.f32 v31, $5.000000060e-08;
	v34 =	vmul.f32 $1.000000010e-07, v27;
	v0 =	vadd.f32 v32, v0  }
0x82: {  	v35 =	vnsel vm9, $0x0, v24;
	v36 =	vld [tilespmem:$0x3D0]  }
0x83: {  	v43 =	vld [tilespmem:$0x3F0];
	vm10 =	vlt.f32 v34, $5.000000060e-08;
	v37 =	vmul.f32 $1.000000010e-07, v30;
	v0 =	vadd.f32 v35, v0  }
0x84: {  	v38 =	vnsel vm10, $0x0, v27;
	v39 =	vld [tilespmem:$0x3E0]  }
0x85: {  	vm11 =	vlt.f32 v37, $5.000000060e-08;
	v40 =	vmul.f32 $1.000000010e-07, v33;
	v0 =	vadd.f32 v38, v0  }
0x86: {  	v53 =	vimm.s32 $0xDCFE98BA;
	v41 =	vnsel vm11, $0x0, v30  }
0x87: {  	vm12 =	vlt.f32 v40, $5.000000060e-08;
	v42 =	vmul.f32 $1.000000010e-07, v36;
	v0 =	vadd.f32 v41, v0  }
0x88: {  	v49 =	vimm.s32 $0x67452301;
	v47 =	vmul.f32 $1.000000010e-07, v43;
	v44 =	vnsel vm12, $0x0, v33  }
0x89: {  	vm13 =	vlt.f32 v42, $5.000000060e-08;
	v45 =	vmul.f32 $1.000000010e-07, v39;
	v0 =	vadd.f32 v44, v0  }
0x8a: {  	v5 =	vunpack.c.l.s4.s8 v49;
	v46 =	vnsel vm13, $0x0, v36;
	v48 =	vimm.s32 $0xEFCDAB89  }
0x8b: {  	vm14 =	vlt.f32 v45, $5.000000060e-08;
	v3 =	vunpack.c.l.s4.s8 v48;
	v0 =	vadd.f32 v46, v0  }
0x8c: {  	vm15 =	vlt.f32 v47, $5.000000060e-08;
	v4 =	vnsel vm14, $0x0, v39;
	v51 =	vunpack.c.0.s8.s32 v5  }
0x8d: {  	v50 =	vunpack.c.0.s8.s32 v3;
	v54 =	vimm.s32 $0x54761032;
	v0 =	vadd.f32 v4, v0  }
0x8e: {  	v2 =	vunpack.c.l.s4.s8 v53;
	v1 =	vnsel vm15, $0x0, v43;
	v3 =	vunpack.c.l.s4.s8 v54  }
0x8f: {  	v52 =	vcombine.low v51, v50;
	v0 =	vadd.f32 v1, v0  }
0x90: {  	v2 =	vunpack.c.0.s8.s32 v2;
	v3 =	vunpack.c.0.s8.s32 v3  }
0x91: {  	v1 =	vperm.xlane v0, v52  }
0x92: {  	v56 =	vimm.s32 $0xBA98FEDC;
	v57 =	vimm.s32 $0x32107654;
	v55 =	vcombine.low v3, v2  }
0x93: {  	v2 =	vunpack.c.l.s4.s8 v56;
	v3 =	vunpack.c.l.s4.s8 v57;
	v0 =	vadd.f32 v0, v1  }
0x94: {  	v58 =	vimm.s32 $0xFEDCBA98  }
0x95: {  	v2 =	vunpack.c.0.s8.s32 v2;
	v3 =	vunpack.c.0.s8.s32 v3;
	v1 =	vperm.xlane v0, v55  }
0x96: {  	v59 =	vimm.s32 $0x76543210;
	v4 =	vunpack.c.l.s4.s8 v58  }
0x97: {  	v61 =	vunpack.c.l.s4.s8 v59;
	v60 =	vcombine.low v3, v2;
	v0 =	vadd.f32 v0, v1  }
0x98: {  	v62 =	vunpack.c.0.s8.s32 v4  }
0x99: {  	v2 =	vunpack.c.0.s8.s32 v61;
	v1 =	vperm.xlane v0, v60  }
0x9a: {  	v3 =	vand.u32 $0xF, v62  }
0x9b: {  	v63 =	vcombine.low v3, v2;
	v0 =	vadd.f32 v0, v1;
	_ =	sdelay $0x1  }
0x9c: {  	v1 =	vperm.xlane v0, v63;
	_ =	sdelay $0x1  }
0x9d: {  	v0 =	vadd.f32 v0, v1;
	_ =	sdelay $0x1  }
0x9e: {  	(v2sf) =	vpush v0, $0x0;
	_ =	sdelay $0xe  }
0x9f: {  	s30 =	spop (v2sf)  }
0xa0: {  	s4 =	smul.f32 $6.553600000e+04, s30;
	_ =	sdelay $0x1  }
0xa1: {  	s4 =	sadd.f32 $5.000000000e-01, s4;
	_ =	sdelay $0x1  }
0xa2: {  	s31 =	simm.s32 $0x1;
	s4 =	scvt.f32.s32 s4  }
0xa3: {  	[sflag:s31] =	ssyncset.done $0x0  }
0xa4: {  	[smem:s3], [sflag:$0x1] =	smem.add.s32 s4  }
0xa5: {  	_ =	swait.done [sflag:s31]  }
0xa6: {  	[sflag:s31] =	ssyncset.s32 $0x0  }
0xa7: {  	[sflag:s31] =	ssyncset.done $0x0  }
0xa8: {  	[bflag:$0x0] =	sbarrier.arrive $0xFFFF  }
0xa9: {  	_ =	sfence.sel @p0 $0x180000  }
0xaa: {  	[bflag:$0x0] =	sbarrier.arrive @p0 $0xFFFF  }
0xab: {  	_ =	strace @p0 $0x90000047  }
0xac: {  	[bflag:$0x2] =	sbarrier.arrive @p0 $0xFFFF  }
0xad: {  	s3 =	sld @!p0 [smem:$0x0];
	_ =	sdelay $0x2  }
0xae: {  	v0 =	vmov @!p0 s3  }
0xaf: {  	v0 =	vcvt.s32.f32 @!p0 v0;
	_ =	sdelay $0x1  }
0xb0: {  	v0 =	vmul.f32 @!p0 $1.525878910e-05, v0;
	_ =	sdelay $0x1  }
0xb1: {  	v0 =	vbroadcast @!p0 v0, $0x0;
	_ =	sdelay $0x1  }
0xb2: {  	s3 =	simm.s32 @!p0 $0x400;
	[tilespmem:$0x400] =	vst @!p0 v0  }
0xb3: {  	[hbm4b:s1+s2] =	stream.linear.scatter @!p0 [tilespmem:s3], [sflag:$0x2], $0x80, $0x38;
	[tilespmem:$0x480] =	vst v63  }
0xb4: {  	s1 =	simm.s32 @!p0 $0x2  }
0xb5: {  	_ =	swait.ge @!p0 [sflag:s1], $0x80  }
0xb6: {  	[sflag:s1] =	ssyncset.done @!p0 $0x0  }
0xb7: {  	[sflag:s1] =	ssyncadd.s32 @!p0 $0xFFFFFF80  }
0xb8: {  	_ =	sfence.sel @!p0 $0x180000  }
0xb9: {  	[bflag:$0x0] =	sbarrier.arrive @!p0 $0xFFFF  }
0xba: {  	_ =	strace @!p0 $0x90000047  }
0xbb: {  	s0 =	sadd.s32 @!p0 $0x100000, s0;
	[bflag:$0x2] =	sbarrier.arrive @!p0 $0xFFFF  }
0xbc: {  	[sflag:s0] =	ssyncadd.tile.s32 @!p0 $0x1;
	_ =	shalt  }
.Lfunc_end2:
_tile_overlayer_lowered:
.L_overlay_start_2:
0xbd: {  	(tag) =	ssettag $0x2  }
0xbe: {  	s0 =	rddreg [dreg:$0x0];
	s2 =	stileid.u32  }
0xbf: {  	s1 =	rddreg [dreg:$0x1];
	p0 =	sne.s32 s2, $0x0  }
0xc0: {  	s3 =	rddreg [dreg:$0x2];
	[bflag:$0x3] =	sbarrier.arrive $0xFFFF;
	s2 =	simm.s32 @!p0 $0x1C01  }
0xc1: {  	[timem:s3], [sflag:s2] =	dma.local @!p0 [hbm:s0], s1  }
0xc2: {  	s0 =	simm.s32 @!p0 $0x1  }
0xc3: {  	_ =	swait.ge @!p0 [sflag:s0], s1  }
0xc4: {  	s1 =	ssub.s32 @!p0 $0x0, s1;
	[sflag:s0] =	ssyncset.done @!p0 $0x0  }
0xc5: {  	[sflag:s0] =	ssyncadd.s32 @!p0 s1  }
0xc6: {  	[bflag:$0x3] =	sbarrier.arrive $0xFFFF  }
0xc7: {  	_ =	shalt  }

</sc_bundles>
